<compile_context>
chip_gen: v7x
topology: tpu7x:2x2x1
jax: 0.10.2.dev20260603
libtpu: 0.0.44.dev20260713+nightly
codegen_flags: <defaults>
</compile_context>

<pallas_src>
import functools
import jax
import jax.numpy as jnp
from jax import lax
from jax.experimental import pallas as pl
from jax.experimental.pallas import tpu as pltpu
from jax.experimental.pallas import tpu_sc as plsc

N_NODES = 10000
D = 128
N_PAD = 10240
DUMMY_DST = 10100
NC, NS = 2, 16
NW = NC * NS
K = 128
ROWS_PER_TILE = N_PAD // NS
DEG_W = 16

_sc_mesh = plsc.VectorSubcoreMesh(core_axis_name="c", subcore_axis_name="s")


def _sc_degree(dst3, ones_blk, zeros_blk, n_chunks):

    @functools.partial(
        pl.kernel,
        mesh=_sc_mesh,
        out_type=jax.ShapeDtypeStruct((NC, N_PAD, DEG_W), jnp.float32),
        scratch_types=[
            pltpu.VMEM((n_chunks, K), jnp.int32),
            pltpu.VMEM((K, DEG_W), jnp.float32),
            pltpu.VMEM_SHARED((N_PAD, DEG_W), jnp.float32),
        ],
    )
    def k(dst_hbm, ones_hbm, zeros_hbm, out_hbm, dst_all, ones_v, acc_sh):
        c = lax.axis_index("c")
        s = lax.axis_index("s")
        pltpu.sync_copy(zeros_hbm, acc_sh.at[pl.ds(s * ROWS_PER_TILE, ROWS_PER_TILE)])
        pltpu.sync_copy(ones_hbm, ones_v)
        pltpu.sync_copy(dst_hbm.at[c * NS + s], dst_all)
        plsc.subcore_barrier()

        def body(ch, _):
            pltpu.sync_copy(ones_v, acc_sh.at[dst_all.at[ch]], add=True)
            return ()

        lax.fori_loop(0, n_chunks, body, ())
        plsc.subcore_barrier()
        pltpu.sync_copy(
            acc_sh.at[pl.ds(s * ROWS_PER_TILE, ROWS_PER_TILE)],
            out_hbm.at[c, pl.ds(s * ROWS_PER_TILE, ROWS_PER_TILE)],
        )

    return k(dst3, ones_blk, zeros_blk)


def _sc_scatter(src3, dst3, g, zeros_blk, n_chunks):
    assert n_chunks % 2 == 0

    @functools.partial(
        pl.kernel,
        mesh=_sc_mesh,
        out_type=jax.ShapeDtypeStruct((NC, N_PAD, D), jnp.float32),
        scratch_types=[
            pltpu.VMEM((n_chunks, K), jnp.int32),
            pltpu.VMEM((K,), jnp.int32),
            pltpu.VMEM((K,), jnp.int32),
            pltpu.VMEM((K, D), jnp.float32),
            pltpu.VMEM((K, D), jnp.float32),
            pltpu.VMEM_SHARED((N_PAD, D), jnp.float32),
            pltpu.SemaphoreType.DMA,
            pltpu.SemaphoreType.DMA,
            pltpu.SemaphoreType.DMA,
            pltpu.SemaphoreType.DMA,
        ],
    )
    def k(src_hbm, dst_hbm, g_hbm, zeros_hbm, out_hbm,
          dst_all, src_v0, src_v1, rows0, rows1, acc_sh,
          sem_i0, sem_i1, sem_r0, sem_r1):
        c = lax.axis_index("c")
        s = lax.axis_index("s")
        w = c * NS + s
        pltpu.sync_copy(zeros_hbm, acc_sh.at[pl.ds(s * ROWS_PER_TILE, ROWS_PER_TILE)])
        pltpu.sync_copy(dst_hbm.at[w], dst_all)
        pltpu.sync_copy(src_hbm.at[w, 0], src_v0)
        plsc.subcore_barrier()

        pltpu.async_copy(g_hbm.at[src_v0], rows0, sem_r0)
        pltpu.async_copy(src_hbm.at[w, 1], src_v1, sem_i1)

        def body(i, _):
            ch0 = 2 * i
            ch1 = 2 * i + 1
            pltpu.make_async_copy(src_hbm.at[w, ch1], src_v1, sem_i1).wait()
            pltpu.async_copy(g_hbm.at[src_v1], rows1, sem_r1)
            pltpu.make_async_copy(g_hbm.at[src_v0], rows0, sem_r0).wait()

            @pl.when(ch0 + 2 < n_chunks)
            def _():
                pltpu.async_copy(src_hbm.at[w, ch0 + 2], src_v0, sem_i0)

            pltpu.sync_copy(rows0, acc_sh.at[dst_all.at[ch0]], add=True)
            pltpu.make_async_copy(g_hbm.at[src_v1], rows1, sem_r1).wait()

            @pl.when(ch0 + 2 < n_chunks)
            def _():
                pltpu.make_async_copy(src_hbm.at[w, ch0 + 2], src_v0, sem_i0).wait()
                pltpu.async_copy(g_hbm.at[src_v0], rows0, sem_r0)

            @pl.when(ch1 + 2 < n_chunks)
            def _():
                pltpu.async_copy(src_hbm.at[w, ch1 + 2], src_v1, sem_i1)

            pltpu.sync_copy(rows1, acc_sh.at[dst_all.at[ch1]], add=True)
            return ()

        lax.fori_loop(0, n_chunks // 2, body, ())
        plsc.subcore_barrier()
        pltpu.sync_copy(
            acc_sh.at[pl.ds(s * ROWS_PER_TILE, ROWS_PER_TILE)],
            out_hbm.at[c, pl.ds(s * ROWS_PER_TILE, ROWS_PER_TILE)],
        )

    return k(src3, dst3, g, zeros_blk)


_BLK = 2048


def _tc_prologue(deg_parts, x_pad, W1):

    def body(degp, x_blk, w, g_out, dinv_out):
        deg = 1.0 + degp[0, :, 0] + degp[1, :, 0]
        dinv = lax.rsqrt(deg)
        h = jnp.dot(x_blk[...], w[...], preferred_element_type=jnp.float32)
        g_out[...] = h * dinv[:, None]
        dinv_out[...] = dinv

    return pl.pallas_call(
        body,
        grid=(N_PAD // _BLK,),
        in_specs=[
            pl.BlockSpec((NC, _BLK, DEG_W), lambda i: (0, i, 0)),
            pl.BlockSpec((_BLK, D), lambda i: (i, 0)),
            pl.BlockSpec((D, D), lambda i: (0, 0)),
        ],
        out_specs=[
            pl.BlockSpec((_BLK, D), lambda i: (i, 0)),
            pl.BlockSpec((_BLK,), lambda i: (i,)),
        ],
        out_shape=[
            jax.ShapeDtypeStruct((N_PAD, D), jnp.float32),
            jax.ShapeDtypeStruct((N_PAD,), jnp.float32),
        ],
    )(deg_parts, x_pad, W1)


def _tc_mid(s_parts, g1, dinv, b1, W2):

    def body(sp, g_blk, dinv_blk, b, w, g2_out):
        dinv = dinv_blk[...]
        z = (sp[0] + sp[1] + g_blk[...]) * dinv[:, None] + b[...][None, :]
        a = jnp.maximum(z, 0.0)
        h2 = jnp.dot(a, w[...], preferred_element_type=jnp.float32)
        g2_out[...] = h2 * dinv[:, None]

    return pl.pallas_call(
        body,
        grid=(N_PAD // _BLK,),
        in_specs=[
            pl.BlockSpec((NC, _BLK, D), lambda i: (0, i, 0)),
            pl.BlockSpec((_BLK, D), lambda i: (i, 0)),
            pl.BlockSpec((_BLK,), lambda i: (i,)),
            pl.BlockSpec((D,), lambda i: (0,)),
            pl.BlockSpec((D, D), lambda i: (0, 0)),
        ],
        out_specs=pl.BlockSpec((_BLK, D), lambda i: (i, 0)),
        out_shape=jax.ShapeDtypeStruct((N_PAD, D), jnp.float32),
    )(s_parts, g1, dinv, b1, W2)


def _tc_epilogue(s_parts, g2, dinv, b2):

    def body(sp, g_blk, dinv_blk, b, out):
        z = (sp[0] + sp[1] + g_blk[...]) * dinv_blk[...][:, None] + b[...][None, :]
        m = jnp.max(z, axis=1, keepdims=True)
        e = jnp.exp(z - m)
        out[...] = e / jnp.sum(e, axis=1, keepdims=True)

    return pl.pallas_call(
        body,
        grid=(N_PAD // _BLK,),
        in_specs=[
            pl.BlockSpec((NC, _BLK, D), lambda i: (0, i, 0)),
            pl.BlockSpec((_BLK, D), lambda i: (i, 0)),
            pl.BlockSpec((_BLK,), lambda i: (i,)),
            pl.BlockSpec((D,), lambda i: (0,)),
        ],
        out_specs=pl.BlockSpec((_BLK, D), lambda i: (i, 0)),
        out_shape=jax.ShapeDtypeStruct((N_PAD, D), jnp.float32),
    )(s_parts, g2, dinv, b2)


@jax.jit
def kernel(x, edge_index, W1, b1, W2, b2):
    n_edges = edge_index.shape[1]
    n_chunks = -(-n_edges // (NW * K))
    n_chunks += n_chunks % 2
    e_pad = NW * K * n_chunks

    src = edge_index[0].astype(jnp.int32)
    dst = edge_index[1].astype(jnp.int32)
    pad = e_pad - n_edges
    src_pad = jnp.concatenate([src, jnp.zeros((pad,), jnp.int32)])
    dst_pad = jnp.concatenate([dst, jnp.full((pad,), DUMMY_DST, jnp.int32)])
    src3 = src_pad.reshape(NW, n_chunks, K)
    dst3 = dst_pad.reshape(NW, n_chunks, K)
    x_pad = jnp.concatenate(
        [x, jnp.zeros((N_PAD - N_NODES, D), x.dtype)], axis=0)

    ones_blk = jnp.concatenate(
        [jnp.ones((K, 1), jnp.float32), jnp.zeros((K, DEG_W - 1), jnp.float32)],
        axis=1)
    zeros_deg = jnp.zeros((ROWS_PER_TILE, DEG_W), jnp.float32)
    zeros_row = jnp.zeros((ROWS_PER_TILE, D), jnp.float32)

    deg_parts = _sc_degree(dst3, ones_blk, zeros_deg, n_chunks)
    g1, dinv = _tc_prologue(deg_parts, x_pad, W1)
    s1 = _sc_scatter(src3, dst3, g1, zeros_row, n_chunks)
    g2 = _tc_mid(s1, g1, dinv, b1, W2)
    s2 = _sc_scatter(src3, dst3, g2, zeros_row, n_chunks)
    out = _tc_epilogue(s2, g2, dinv, b2)
    return out[:N_NODES]

# --- scband reference (transcript-rebuilt; emitter-appended) ---
"""Pipeline reference for scband-graph-conv-11063835755160 (READ-ONLY COPY).

The authoritative reference and input builder live on the scoring server;
editing this copy changes nothing except your own understanding.
"""

import jax, jax.numpy as jnp
import numpy as np

N_NODES = 10000
N_EDGES = 320000
D_IN = 128
D_HID = 128
D_OUT = 128


def setup_inputs(seed: int = 0) -> dict:
    key = jax.random.key(seed)
    k1, k2, k3, k4, k5, k6 = jax.random.split(key, 6)
    x = jax.random.normal(k1, (N_NODES, D_IN), dtype=jnp.float32)
    edge_index = jax.random.randint(k2, (2, N_EDGES), 0, N_NODES, dtype=jnp.int64)
    # GCNConv linear weights (stored [in, out] for x @ W) and biases
    W1 = jax.random.normal(k3, (D_IN, D_HID), dtype=jnp.float32) * (1.0 / np.sqrt(D_IN))
    b1 = jnp.zeros((D_HID,), dtype=jnp.float32)
    W2 = jax.random.normal(k4, (D_HID, D_OUT), dtype=jnp.float32) * (1.0 / np.sqrt(D_HID))
    b2 = jnp.zeros((D_OUT,), dtype=jnp.float32)
    return {"x": x, "edge_index": edge_index, "W1": W1, "b1": b1, "W2": W2, "b2": b2}


def _gcn_layer(x, src, dst, W, b, n_nodes):
    # gcn_norm with added self-loops (edge_weight = 1)
    loop = jnp.arange(n_nodes, dtype=src.dtype)
    src_sl = jnp.concatenate([src, loop])
    dst_sl = jnp.concatenate([dst, loop])
    w = jnp.ones(src_sl.shape[0], dtype=x.dtype)
    deg = jnp.zeros((n_nodes,), dtype=x.dtype).at[dst_sl].add(w)
    dinv = jnp.where(deg > 0, 1.0 / jnp.sqrt(deg), 0.0)
    norm = dinv[src_sl] * w * dinv[dst_sl]
    h = x @ W
    msg = h[src_sl] * norm[:, None]
    out = jnp.zeros((n_nodes, h.shape[1]), dtype=x.dtype).at[dst_sl].add(msg)
    return out + b


def reference(x, edge_index, W1, b1, W2, b2):
    n_nodes = x.shape[0]
    src, dst = edge_index[0], edge_index[1]
    # dropout is identity in eval mode
    h = _gcn_layer(x, src, dst, W1, b1, n_nodes)
    h = jax.nn.relu(h)
    h = jax.nn.leaky_relu(h, negative_slope=0.01)
    h = _gcn_layer(h, src, dst, W2, b2, n_nodes)
    return jax.nn.softmax(h, axis=1)

if __name__ == "__main__":
    import jax
    _d = setup_inputs()
    print(jax.jit(kernel)(*tuple(_d.values())))

</pallas_src>

<mosaic_0001>
#map = affine_map<(d0, d1) -> (0, 0, 0)>
#map1 = affine_map<(d0, d1) -> (0, 0)>
module attributes {stable_mosaic.version = 14 : i64} {
  func.func @k(%arg0: i32, %arg1: i32, %arg2: memref<32x80x128xi32, #tpu.memory_space<hbm>>, %arg3: memref<32x80x128xi32, #tpu.memory_space<hbm>>, %arg4: memref<10240x128xf32, #tpu.memory_space<hbm>>, %arg5: memref<640x128xf32, #tpu.memory_space<hbm>>, %arg6: memref<2x10240x128xf32, #tpu.memory_space<hbm>>, %arg7: memref<80x128xi32, #tpu.memory_space<vmem>>, %arg8: memref<128xi32, #tpu.memory_space<vmem>>, %arg9: memref<128xi32, #tpu.memory_space<vmem>>, %arg10: memref<128x128xf32, #tpu.memory_space<vmem>>, %arg11: memref<128x128xf32, #tpu.memory_space<vmem>>, %arg12: memref<10240x128xf32, #tpu.memory_space<vmem_shared>>, %arg13: memref<!tpu.dma_semaphore, #tpu.memory_space<semaphore_mem>>, %arg14: memref<!tpu.dma_semaphore, #tpu.memory_space<semaphore_mem>>, %arg15: memref<!tpu.dma_semaphore, #tpu.memory_space<semaphore_mem>>, %arg16: memref<!tpu.dma_semaphore, #tpu.memory_space<semaphore_mem>>) attributes {dimension_semantics = [#tpu.dimension_semantics<core_parallel>, #tpu.dimension_semantics<subcore_parallel>], iteration_bounds = array<i64: 2, 16>, scalar_prefetch = 0 : i64, scratch_operands = 10 : i64, tpu.core_type = #tpu.core_type<sc_vector_subcore>, window_params = [{transform_indices = #map}, {transform_indices = #map}, {transform_indices = #map1}, {transform_indices = #map1}, {transform_indices = #map}]} {
    %mul3A = arith.constant 16 : i32
    %mul3A_0 = arith.muli %arg0, %mul3A : i32
    %add3A = arith.addi %mul3A_0, %arg1 : i32
    %mul3A_1 = arith.constant 640 : i32
    %mul3A_2 = arith.muli %arg1, %mul3A_1 : i32
    "tpu.region"() ({
      %run_scoped3A_21 = tpu.sem_alloc : memref<!tpu.dma_semaphore, #tpu.memory_space<semaphore_mem>>
      %dma_start3A_22 = arith.constant 0 : i32
      %dma_start3A_23 = tpu.memref_slice %arg12[%mul3A_2, %dma_start3A_22] : memref<10240x128xf32, #tpu.memory_space<vmem_shared>> -> memref<640x128xf32, #tpu.memory_space<vmem_shared>>
      tpu.enqueue_dma source(%arg5 : memref<640x128xf32, #tpu.memory_space<hbm>>) target(%dma_start3A_23 : memref<640x128xf32, #tpu.memory_space<vmem_shared>>) target_semaphore(%run_scoped3A_21 : memref<!tpu.dma_semaphore, #tpu.memory_space<semaphore_mem>>)
      %dma_wait3A = arith.constant 0 : i32
      %dma_wait3A_24 = tpu.memref_slice %arg12[%mul3A_2, %dma_wait3A] : memref<10240x128xf32, #tpu.memory_space<vmem_shared>> -> memref<640x128xf32, #tpu.memory_space<vmem_shared>>
      tpu.wait_dma2 semaphore(%run_scoped3A_21 : memref<!tpu.dma_semaphore, #tpu.memory_space<semaphore_mem>>) src(%arg5 : memref<640x128xf32, #tpu.memory_space<hbm>>) dst(%dma_wait3A_24 : memref<640x128xf32, #tpu.memory_space<vmem_shared>>)
      tpu.yield
    }) : () -> ()
    "tpu.region"() ({
      %run_scoped3A_21 = tpu.sem_alloc : memref<!tpu.dma_semaphore, #tpu.memory_space<semaphore_mem>>
      %dma_start3A_22 = arith.constant 0 : i32
      %dma_start3A_23 = arith.constant 0 : i32
      %dma_start3A_24 = tpu.memref_slice %arg3[%add3A, %dma_start3A_22, %dma_start3A_23] : memref<32x80x128xi32, #tpu.memory_space<hbm>> -> memref<1x80x128xi32, #tpu.memory_space<hbm>>
      %dma_start3A_25 = tpu.memref_squeeze %dma_start3A_24 : memref<1x80x128xi32, #tpu.memory_space<hbm>> -> memref<80x128xi32, #tpu.memory_space<hbm>>
      %dma_start3A_26 = arith.constant 0 : i32
      %dma_start3A_27 = arith.constant 0 : i32
      %dma_start3A_28 = tpu.memref_slice %arg3[%add3A, %dma_start3A_26, %dma_start3A_27] : memref<32x80x128xi32, #tpu.memory_space<hbm>> -> memref<1x80x128xi32, #tpu.memory_space<hbm>>
      %dma_start3A_29 = tpu.memref_squeeze %dma_start3A_28 : memref<1x80x128xi32, #tpu.memory_space<hbm>> -> memref<80x128xi32, #tpu.memory_space<hbm>>
      tpu.enqueue_dma source(%dma_start3A_29 : memref<80x128xi32, #tpu.memory_space<hbm>>) target(%arg7 : memref<80x128xi32, #tpu.memory_space<vmem>>) target_semaphore(%run_scoped3A_21 : memref<!tpu.dma_semaphore, #tpu.memory_space<semaphore_mem>>)
      %dma_wait3A = arith.constant 0 : i32
      %dma_wait3A_30 = arith.constant 0 : i32
      %dma_wait3A_31 = tpu.memref_slice %arg3[%add3A, %dma_wait3A, %dma_wait3A_30] : memref<32x80x128xi32, #tpu.memory_space<hbm>> -> memref<1x80x128xi32, #tpu.memory_space<hbm>>
      %dma_wait3A_32 = tpu.memref_squeeze %dma_wait3A_31 : memref<1x80x128xi32, #tpu.memory_space<hbm>> -> memref<80x128xi32, #tpu.memory_space<hbm>>
      %dma_wait3A_33 = arith.constant 0 : i32
      %dma_wait3A_34 = arith.constant 0 : i32
      %dma_wait3A_35 = tpu.memref_slice %arg3[%add3A, %dma_wait3A_33, %dma_wait3A_34] : memref<32x80x128xi32, #tpu.memory_space<hbm>> -> memref<1x80x128xi32, #tpu.memory_space<hbm>>
      %dma_wait3A_36 = tpu.memref_squeeze %dma_wait3A_35 : memref<1x80x128xi32, #tpu.memory_space<hbm>> -> memref<80x128xi32, #tpu.memory_space<hbm>>
      tpu.wait_dma2 semaphore(%run_scoped3A_21 : memref<!tpu.dma_semaphore, #tpu.memory_space<semaphore_mem>>) src(%dma_wait3A_36 : memref<80x128xi32, #tpu.memory_space<hbm>>) dst(%arg7 : memref<80x128xi32, #tpu.memory_space<vmem>>)
      tpu.yield
    }) : () -> ()
    %run_scoped3A = arith.constant 0 : i32
    "tpu.region"() ({
      %run_scoped3A_21 = tpu.sem_alloc : memref<!tpu.dma_semaphore, #tpu.memory_space<semaphore_mem>>
      %dma_start3A_22 = arith.constant 0 : i32
      %dma_start3A_23 = tpu.memref_slice %arg2[%add3A, %run_scoped3A, %dma_start3A_22] : memref<32x80x128xi32, #tpu.memory_space<hbm>> -> memref<1x1x128xi32, #tpu.memory_space<hbm>>
      %dma_start3A_24 = tpu.memref_squeeze %dma_start3A_23 : memref<1x1x128xi32, #tpu.memory_space<hbm>> -> memref<128xi32, #tpu.memory_space<hbm>>
      %dma_start3A_25 = arith.constant 0 : i32
      %dma_start3A_26 = tpu.memref_slice %arg2[%add3A, %run_scoped3A, %dma_start3A_25] : memref<32x80x128xi32, #tpu.memory_space<hbm>> -> memref<1x1x128xi32, #tpu.memory_space<hbm>>
      %dma_start3A_27 = tpu.memref_squeeze %dma_start3A_26 : memref<1x1x128xi32, #tpu.memory_space<hbm>> -> memref<128xi32, #tpu.memory_space<hbm>>
      tpu.enqueue_dma source(%dma_start3A_27 : memref<128xi32, #tpu.memory_space<hbm>>) target(%arg8 : memref<128xi32, #tpu.memory_space<vmem>>) target_semaphore(%run_scoped3A_21 : memref<!tpu.dma_semaphore, #tpu.memory_space<semaphore_mem>>)
      %dma_wait3A = arith.constant 0 : i32
      %dma_wait3A_28 = tpu.memref_slice %arg2[%add3A, %run_scoped3A, %dma_wait3A] : memref<32x80x128xi32, #tpu.memory_space<hbm>> -> memref<1x1x128xi32, #tpu.memory_space<hbm>>
      %dma_wait3A_29 = tpu.memref_squeeze %dma_wait3A_28 : memref<1x1x128xi32, #tpu.memory_space<hbm>> -> memref<128xi32, #tpu.memory_space<hbm>>
      %dma_wait3A_30 = arith.constant 0 : i32
      %dma_wait3A_31 = tpu.memref_slice %arg2[%add3A, %run_scoped3A, %dma_wait3A_30] : memref<32x80x128xi32, #tpu.memory_space<hbm>> -> memref<1x1x128xi32, #tpu.memory_space<hbm>>
      %dma_wait3A_32 = tpu.memref_squeeze %dma_wait3A_31 : memref<1x1x128xi32, #tpu.memory_space<hbm>> -> memref<128xi32, #tpu.memory_space<hbm>>
      tpu.wait_dma2 semaphore(%run_scoped3A_21 : memref<!tpu.dma_semaphore, #tpu.memory_space<semaphore_mem>>) src(%dma_wait3A_32 : memref<128xi32, #tpu.memory_space<hbm>>) dst(%arg8 : memref<128xi32, #tpu.memory_space<vmem>>)
      tpu.yield
    }) : () -> ()
    %barrier3A = arith.constant 0 : index
    tpu.barrier barrier_id(%barrier3A)
    %dma_start3A = arith.constant 0 : i32
    %dma_start3A_3 = arith.constant 0 : i32
    %dma_start3A_4 = tpu.memref_slice %arg4[%dma_start3A, %dma_start3A_3] : memref<10240x128xf32, #tpu.memory_space<hbm>> -> memref<10240x128xf32, #tpu.memory_space<hbm>>
    tpu.enqueue_indirect_dma source(%dma_start3A_4 : memref<10240x128xf32, #tpu.memory_space<hbm>>) target(%arg10 : memref<128x128xf32, #tpu.memory_space<vmem>>) offsets(%arg8 : memref<128xi32, #tpu.memory_space<vmem>>) semaphore(%arg15 : memref<!tpu.dma_semaphore, #tpu.memory_space<semaphore_mem>>)
    %dma_start3A_5 = arith.constant 1 : i32
    %dma_start3A_6 = arith.constant 0 : i32
    %dma_start3A_7 = tpu.memref_slice %arg2[%add3A, %dma_start3A_5, %dma_start3A_6] : memref<32x80x128xi32, #tpu.memory_space<hbm>> -> memref<1x1x128xi32, #tpu.memory_space<hbm>>
    %dma_start3A_8 = tpu.memref_squeeze %dma_start3A_7 : memref<1x1x128xi32, #tpu.memory_space<hbm>> -> memref<128xi32, #tpu.memory_space<hbm>>
    %dma_start3A_9 = arith.constant 0 : i32
    %dma_start3A_10 = tpu.memref_slice %arg2[%add3A, %dma_start3A_5, %dma_start3A_9] : memref<32x80x128xi32, #tpu.memory_space<hbm>> -> memref<1x1x128xi32, #tpu.memory_space<hbm>>
    %dma_start3A_11 = tpu.memref_squeeze %dma_start3A_10 : memref<1x1x128xi32, #tpu.memory_space<hbm>> -> memref<128xi32, #tpu.memory_space<hbm>>
    tpu.enqueue_dma source(%dma_start3A_11 : memref<128xi32, #tpu.memory_space<hbm>>) target(%arg9 : memref<128xi32, #tpu.memory_space<vmem>>) target_semaphore(%arg14 : memref<!tpu.dma_semaphore, #tpu.memory_space<semaphore_mem>>)
    %scan3A = arith.constant 0 : i32
    %scan3A_12 = arith.constant 40 : i32
    %scan3A_13 = arith.addi %scan3A, %scan3A_12 : i32
    %scan3A_14 = arith.constant 1 : i32
    scf.for %scan3A_21 = %scan3A to %scan3A_13 step %scan3A_14  : i32 {
      %mul3A_22 = arith.constant 2 : i32
      %mul3A_23 = arith.muli %mul3A_22, %scan3A_21 : i32
      %mul3A_24 = arith.constant 2 : i32
      %mul3A_25 = arith.muli %mul3A_24, %scan3A_21 : i32
      %add3A_26 = arith.constant 1 : i32
      %add3A_27 = arith.addi %mul3A_25, %add3A_26 : i32
      %dma_wait3A = arith.constant 0 : i32
      %dma_wait3A_28 = tpu.memref_slice %arg2[%add3A, %add3A_27, %dma_wait3A] : memref<32x80x128xi32, #tpu.memory_space<hbm>> -> memref<1x1x128xi32, #tpu.memory_space<hbm>>
      %dma_wait3A_29 = tpu.memref_squeeze %dma_wait3A_28 : memref<1x1x128xi32, #tpu.memory_space<hbm>> -> memref<128xi32, #tpu.memory_space<hbm>>
      %dma_wait3A_30 = arith.constant 0 : i32
      %dma_wait3A_31 = tpu.memref_slice %arg2[%add3A, %add3A_27, %dma_wait3A_30] : memref<32x80x128xi32, #tpu.memory_space<hbm>> -> memref<1x1x128xi32, #tpu.memory_space<hbm>>
      %dma_wait3A_32 = tpu.memref_squeeze %dma_wait3A_31 : memref<1x1x128xi32, #tpu.memory_space<hbm>> -> memref<128xi32, #tpu.memory_space<hbm>>
      tpu.wait_dma2 semaphore(%arg14 : memref<!tpu.dma_semaphore, #tpu.memory_space<semaphore_mem>>) src(%dma_wait3A_32 : memref<128xi32, #tpu.memory_space<hbm>>) dst(%arg9 : memref<128xi32, #tpu.memory_space<vmem>>)
      %dma_start3A_33 = arith.constant 0 : i32
      %dma_start3A_34 = arith.constant 0 : i32
      %dma_start3A_35 = tpu.memref_slice %arg4[%dma_start3A_33, %dma_start3A_34] : memref<10240x128xf32, #tpu.memory_space<hbm>> -> memref<10240x128xf32, #tpu.memory_space<hbm>>
      tpu.enqueue_indirect_dma source(%dma_start3A_35 : memref<10240x128xf32, #tpu.memory_space<hbm>>) target(%arg11 : memref<128x128xf32, #tpu.memory_space<vmem>>) offsets(%arg9 : memref<128xi32, #tpu.memory_space<vmem>>) semaphore(%arg16 : memref<!tpu.dma_semaphore, #tpu.memory_space<semaphore_mem>>)
      %dma_wait3A_36 = arith.constant 0 : i32
      %dma_wait3A_37 = arith.constant 0 : i32
      %dma_wait3A_38 = tpu.memref_slice %arg4[%dma_wait3A_36, %dma_wait3A_37] : memref<10240x128xf32, #tpu.memory_space<hbm>> -> memref<10240x128xf32, #tpu.memory_space<hbm>>
      tpu.wait_indirect_dma semaphore(%arg15 : memref<!tpu.dma_semaphore, #tpu.memory_space<semaphore_mem>>) src(%dma_wait3A_38 : memref<10240x128xf32, #tpu.memory_space<hbm>>) dst(%arg10 : memref<128x128xf32, #tpu.memory_space<vmem>>)
      %add3A_39 = arith.constant 2 : i32
      %add3A_40 = arith.addi %mul3A_23, %add3A_39 : i32
      %lt3A = arith.constant 80 : i32
      %lt3A_41 = arith.cmpi slt, %add3A_40, %lt3A : i32
      %convert_element_type3A = arith.extui %lt3A_41 : i1 to i32
      %cond3A = arith.constant 0 : i32
      %cond3A_42 = arith.cmpi ne, %convert_element_type3A, %cond3A : i32
      scf.if %cond3A_42 {
        %add3A_60 = arith.constant 2 : i32
        %add3A_61 = arith.addi %mul3A_23, %add3A_60 : i32
        %dma_start3A_62 = arith.constant 0 : i32
        %dma_start3A_63 = tpu.memref_slice %arg2[%add3A, %add3A_61, %dma_start3A_62] : memref<32x80x128xi32, #tpu.memory_space<hbm>> -> memref<1x1x128xi32, #tpu.memory_space<hbm>>
        %dma_start3A_64 = tpu.memref_squeeze %dma_start3A_63 : memref<1x1x128xi32, #tpu.memory_space<hbm>> -> memref<128xi32, #tpu.memory_space<hbm>>
        %dma_start3A_65 = arith.constant 0 : i32
        %dma_start3A_66 = tpu.memref_slice %arg2[%add3A, %add3A_61, %dma_start3A_65] : memref<32x80x128xi32, #tpu.memory_space<hbm>> -> memref<1x1x128xi32, #tpu.memory_space<hbm>>
        %dma_start3A_67 = tpu.memref_squeeze %dma_start3A_66 : memref<1x1x128xi32, #tpu.memory_space<hbm>> -> memref<128xi32, #tpu.memory_space<hbm>>
        tpu.enqueue_dma source(%dma_start3A_67 : memref<128xi32, #tpu.memory_space<hbm>>) target(%arg8 : memref<128xi32, #tpu.memory_space<vmem>>) target_semaphore(%arg13 : memref<!tpu.dma_semaphore, #tpu.memory_space<semaphore_mem>>)
      } else {
      }
      "tpu.region"() ({
        %run_scoped3A_60 = tpu.sem_alloc : memref<!tpu.dma_semaphore, #tpu.memory_space<semaphore_mem>>
        %dma_start3A_61 = arith.constant 0 : i32
        %dma_start3A_62 = tpu.memref_slice %arg7[%mul3A_23, %dma_start3A_61] : memref<80x128xi32, #tpu.memory_space<vmem>> -> memref<1x128xi32, #tpu.memory_space<vmem>>
        %dma_start3A_63 = tpu.memref_squeeze %dma_start3A_62 : memref<1x128xi32, #tpu.memory_space<vmem>> -> memref<128xi32, #tpu.memory_space<vmem>>
        %dma_start3A_64 = arith.constant 0 : i32
        %dma_start3A_65 = arith.constant 0 : i32
        %dma_start3A_66 = tpu.memref_slice %arg12[%dma_start3A_64, %dma_start3A_65] : memref<10240x128xf32, #tpu.memory_space<vmem_shared>> -> memref<10240x128xf32, #tpu.memory_space<vmem_shared>>
        tpu.enqueue_indirect_dma source(%arg10 : memref<128x128xf32, #tpu.memory_space<vmem>>) target(%dma_start3A_66 : memref<10240x128xf32, #tpu.memory_space<vmem_shared>>) offsets(%dma_start3A_63 : memref<128xi32, #tpu.memory_space<vmem>>) semaphore(%run_scoped3A_60 : memref<!tpu.dma_semaphore, #tpu.memory_space<semaphore_mem>>) {add = true}
        %dma_wait3A_67 = arith.constant 0 : i32
        %dma_wait3A_68 = tpu.memref_slice %arg7[%mul3A_23, %dma_wait3A_67] : memref<80x128xi32, #tpu.memory_space<vmem>> -> memref<1x128xi32, #tpu.memory_space<vmem>>
        %dma_wait3A_69 = tpu.memref_squeeze %dma_wait3A_68 : memref<1x128xi32, #tpu.memory_space<vmem>> -> memref<128xi32, #tpu.memory_space<vmem>>
        %dma_wait3A_70 = arith.constant 0 : i32
        %dma_wait3A_71 = arith.constant 0 : i32
        %dma_wait3A_72 = tpu.memref_slice %arg12[%dma_wait3A_70, %dma_wait3A_71] : memref<10240x128xf32, #tpu.memory_space<vmem_shared>> -> memref<10240x128xf32, #tpu.memory_space<vmem_shared>>
        tpu.wait_indirect_dma semaphore(%run_scoped3A_60 : memref<!tpu.dma_semaphore, #tpu.memory_space<semaphore_mem>>) src(%arg10 : memref<128x128xf32, #tpu.memory_space<vmem>>) dst(%dma_wait3A_72 : memref<10240x128xf32, #tpu.memory_space<vmem_shared>>)
        tpu.yield
      }) : () -> ()
      %dma_wait3A_43 = arith.constant 0 : i32
      %dma_wait3A_44 = arith.constant 0 : i32
      %dma_wait3A_45 = tpu.memref_slice %arg4[%dma_wait3A_43, %dma_wait3A_44] : memref<10240x128xf32, #tpu.memory_space<hbm>> -> memref<10240x128xf32, #tpu.memory_space<hbm>>
      tpu.wait_indirect_dma semaphore(%arg16 : memref<!tpu.dma_semaphore, #tpu.memory_space<semaphore_mem>>) src(%dma_wait3A_45 : memref<10240x128xf32, #tpu.memory_space<hbm>>) dst(%arg11 : memref<128x128xf32, #tpu.memory_space<vmem>>)
      %add3A_46 = arith.constant 2 : i32
      %add3A_47 = arith.addi %mul3A_23, %add3A_46 : i32
      %lt3A_48 = arith.constant 80 : i32
      %lt3A_49 = arith.cmpi slt, %add3A_47, %lt3A_48 : i32
      %convert_element_type3A_50 = arith.extui %lt3A_49 : i1 to i32
      %cond3A_51 = arith.constant 0 : i32
      %cond3A_52 = arith.cmpi ne, %convert_element_type3A_50, %cond3A_51 : i32
      scf.if %cond3A_52 {
        %add3A_60 = arith.constant 2 : i32
        %add3A_61 = arith.addi %mul3A_23, %add3A_60 : i32
        %dma_wait3A_62 = arith.constant 0 : i32
        %dma_wait3A_63 = tpu.memref_slice %arg2[%add3A, %add3A_61, %dma_wait3A_62] : memref<32x80x128xi32, #tpu.memory_space<hbm>> -> memref<1x1x128xi32, #tpu.memory_space<hbm>>
        %dma_wait3A_64 = tpu.memref_squeeze %dma_wait3A_63 : memref<1x1x128xi32, #tpu.memory_space<hbm>> -> memref<128xi32, #tpu.memory_space<hbm>>
        %dma_wait3A_65 = arith.constant 0 : i32
        %dma_wait3A_66 = tpu.memref_slice %arg2[%add3A, %add3A_61, %dma_wait3A_65] : memref<32x80x128xi32, #tpu.memory_space<hbm>> -> memref<1x1x128xi32, #tpu.memory_space<hbm>>
        %dma_wait3A_67 = tpu.memref_squeeze %dma_wait3A_66 : memref<1x1x128xi32, #tpu.memory_space<hbm>> -> memref<128xi32, #tpu.memory_space<hbm>>
        tpu.wait_dma2 semaphore(%arg13 : memref<!tpu.dma_semaphore, #tpu.memory_space<semaphore_mem>>) src(%dma_wait3A_67 : memref<128xi32, #tpu.memory_space<hbm>>) dst(%arg8 : memref<128xi32, #tpu.memory_space<vmem>>)
        %dma_start3A_68 = arith.constant 0 : i32
        %dma_start3A_69 = arith.constant 0 : i32
        %dma_start3A_70 = tpu.memref_slice %arg4[%dma_start3A_68, %dma_start3A_69] : memref<10240x128xf32, #tpu.memory_space<hbm>> -> memref<10240x128xf32, #tpu.memory_space<hbm>>
        tpu.enqueue_indirect_dma source(%dma_start3A_70 : memref<10240x128xf32, #tpu.memory_space<hbm>>) target(%arg10 : memref<128x128xf32, #tpu.memory_space<vmem>>) offsets(%arg8 : memref<128xi32, #tpu.memory_space<vmem>>) semaphore(%arg15 : memref<!tpu.dma_semaphore, #tpu.memory_space<semaphore_mem>>)
      } else {
      }
      %add3A_53 = arith.constant 2 : i32
      %add3A_54 = arith.addi %add3A_27, %add3A_53 : i32
      %lt3A_55 = arith.constant 80 : i32
      %lt3A_56 = arith.cmpi slt, %add3A_54, %lt3A_55 : i32
      %convert_element_type3A_57 = arith.extui %lt3A_56 : i1 to i32
      %cond3A_58 = arith.constant 0 : i32
      %cond3A_59 = arith.cmpi ne, %convert_element_type3A_57, %cond3A_58 : i32
      scf.if %cond3A_59 {
        %add3A_60 = arith.constant 2 : i32
        %add3A_61 = arith.addi %add3A_27, %add3A_60 : i32
        %dma_start3A_62 = arith.constant 0 : i32
        %dma_start3A_63 = tpu.memref_slice %arg2[%add3A, %add3A_61, %dma_start3A_62] : memref<32x80x128xi32, #tpu.memory_space<hbm>> -> memref<1x1x128xi32, #tpu.memory_space<hbm>>
        %dma_start3A_64 = tpu.memref_squeeze %dma_start3A_63 : memref<1x1x128xi32, #tpu.memory_space<hbm>> -> memref<128xi32, #tpu.memory_space<hbm>>
        %dma_start3A_65 = arith.constant 0 : i32
        %dma_start3A_66 = tpu.memref_slice %arg2[%add3A, %add3A_61, %dma_start3A_65] : memref<32x80x128xi32, #tpu.memory_space<hbm>> -> memref<1x1x128xi32, #tpu.memory_space<hbm>>
        %dma_start3A_67 = tpu.memref_squeeze %dma_start3A_66 : memref<1x1x128xi32, #tpu.memory_space<hbm>> -> memref<128xi32, #tpu.memory_space<hbm>>
        tpu.enqueue_dma source(%dma_start3A_67 : memref<128xi32, #tpu.memory_space<hbm>>) target(%arg9 : memref<128xi32, #tpu.memory_space<vmem>>) target_semaphore(%arg14 : memref<!tpu.dma_semaphore, #tpu.memory_space<semaphore_mem>>)
      } else {
      }
      "tpu.region"() ({
        %run_scoped3A_60 = tpu.sem_alloc : memref<!tpu.dma_semaphore, #tpu.memory_space<semaphore_mem>>
        %dma_start3A_61 = arith.constant 0 : i32
        %dma_start3A_62 = tpu.memref_slice %arg7[%add3A_27, %dma_start3A_61] : memref<80x128xi32, #tpu.memory_space<vmem>> -> memref<1x128xi32, #tpu.memory_space<vmem>>
        %dma_start3A_63 = tpu.memref_squeeze %dma_start3A_62 : memref<1x128xi32, #tpu.memory_space<vmem>> -> memref<128xi32, #tpu.memory_space<vmem>>
        %dma_start3A_64 = arith.constant 0 : i32
        %dma_start3A_65 = arith.constant 0 : i32
        %dma_start3A_66 = tpu.memref_slice %arg12[%dma_start3A_64, %dma_start3A_65] : memref<10240x128xf32, #tpu.memory_space<vmem_shared>> -> memref<10240x128xf32, #tpu.memory_space<vmem_shared>>
        tpu.enqueue_indirect_dma source(%arg11 : memref<128x128xf32, #tpu.memory_space<vmem>>) target(%dma_start3A_66 : memref<10240x128xf32, #tpu.memory_space<vmem_shared>>) offsets(%dma_start3A_63 : memref<128xi32, #tpu.memory_space<vmem>>) semaphore(%run_scoped3A_60 : memref<!tpu.dma_semaphore, #tpu.memory_space<semaphore_mem>>) {add = true}
        %dma_wait3A_67 = arith.constant 0 : i32
        %dma_wait3A_68 = tpu.memref_slice %arg7[%add3A_27, %dma_wait3A_67] : memref<80x128xi32, #tpu.memory_space<vmem>> -> memref<1x128xi32, #tpu.memory_space<vmem>>
        %dma_wait3A_69 = tpu.memref_squeeze %dma_wait3A_68 : memref<1x128xi32, #tpu.memory_space<vmem>> -> memref<128xi32, #tpu.memory_space<vmem>>
        %dma_wait3A_70 = arith.constant 0 : i32
        %dma_wait3A_71 = arith.constant 0 : i32
        %dma_wait3A_72 = tpu.memref_slice %arg12[%dma_wait3A_70, %dma_wait3A_71] : memref<10240x128xf32, #tpu.memory_space<vmem_shared>> -> memref<10240x128xf32, #tpu.memory_space<vmem_shared>>
        tpu.wait_indirect_dma semaphore(%run_scoped3A_60 : memref<!tpu.dma_semaphore, #tpu.memory_space<semaphore_mem>>) src(%arg11 : memref<128x128xf32, #tpu.memory_space<vmem>>) dst(%dma_wait3A_72 : memref<10240x128xf32, #tpu.memory_space<vmem_shared>>)
        tpu.yield
      }) : () -> ()
    }
    %scan3A_15 = arith.constant 40 : i32
    %barrier3A_16 = arith.constant 0 : index
    tpu.barrier barrier_id(%barrier3A_16)
    %mul3A_17 = arith.constant 640 : i32
    %mul3A_18 = arith.muli %arg1, %mul3A_17 : i32
    %mul3A_19 = arith.constant 640 : i32
    %mul3A_20 = arith.muli %arg1, %mul3A_19 : i32
    "tpu.region"() ({
      %run_scoped3A_21 = tpu.sem_alloc : memref<!tpu.dma_semaphore, #tpu.memory_space<semaphore_mem>>
      %dma_start3A_22 = arith.constant 0 : i32
      %dma_start3A_23 = tpu.memref_slice %arg6[%arg0, %mul3A_20, %dma_start3A_22] : memref<2x10240x128xf32, #tpu.memory_space<hbm>> -> memref<1x640x128xf32, #tpu.memory_space<hbm>>
      %dma_start3A_24 = tpu.memref_squeeze %dma_start3A_23 : memref<1x640x128xf32, #tpu.memory_space<hbm>> -> memref<640x128xf32, #tpu.memory_space<hbm>>
      %dma_start3A_25 = arith.constant 0 : i32
      %dma_start3A_26 = tpu.memref_slice %arg12[%mul3A_18, %dma_start3A_25] : memref<10240x128xf32, #tpu.memory_space<vmem_shared>> -> memref<640x128xf32, #tpu.memory_space<vmem_shared>>
      tpu.enqueue_dma source(%dma_start3A_26 : memref<640x128xf32, #tpu.memory_space<vmem_shared>>) target(%dma_start3A_24 : memref<640x128xf32, #tpu.memory_space<hbm>>) target_semaphore(%run_scoped3A_21 : memref<!tpu.dma_semaphore, #tpu.memory_space<semaphore_mem>>)
      %dma_wait3A = arith.constant 0 : i32
      %dma_wait3A_27 = tpu.memref_slice %arg6[%arg0, %mul3A_20, %dma_wait3A] : memref<2x10240x128xf32, #tpu.memory_space<hbm>> -> memref<1x640x128xf32, #tpu.memory_space<hbm>>
      %dma_wait3A_28 = tpu.memref_squeeze %dma_wait3A_27 : memref<1x640x128xf32, #tpu.memory_space<hbm>> -> memref<640x128xf32, #tpu.memory_space<hbm>>
      %dma_wait3A_29 = arith.constant 0 : i32
      %dma_wait3A_30 = tpu.memref_slice %arg12[%mul3A_18, %dma_wait3A_29] : memref<10240x128xf32, #tpu.memory_space<vmem_shared>> -> memref<640x128xf32, #tpu.memory_space<vmem_shared>>
      tpu.wait_dma2 semaphore(%run_scoped3A_21 : memref<!tpu.dma_semaphore, #tpu.memory_space<semaphore_mem>>) src(%dma_wait3A_30 : memref<640x128xf32, #tpu.memory_space<vmem_shared>>) dst(%dma_wait3A_28 : memref<640x128xf32, #tpu.memory_space<hbm>>)
      tpu.yield
    }) : () -> ()
    return
  }
}

#map = affine_map<(d0, d1) -> (0, 0, 0)>
#map1 = affine_map<(d0, d1) -> (0, 0)>
module attributes {stable_mosaic.version = 14 : i64} {
  func.func @k(%arg0: i32, %arg1: i32, %arg2: memref<32x80x128xi32, #tpu.memory_space<hbm>>, %arg3: memref<32x80x128xi32, #tpu.memory_space<hbm>>, %arg4: memref<10240x128xf32, #tpu.memory_space<hbm>>, %arg5: memref<640x128xf32, #tpu.memory_space<hbm>>, %arg6: memref<2x10240x128xf32, #tpu.memory_space<hbm>>, %arg7: memref<80x128xi32, #tpu.memory_space<vmem>>, %arg8: memref<128xi32, #tpu.memory_space<vmem>>, %arg9: memref<128xi32, #tpu.memory_space<vmem>>, %arg10: memref<128x128xf32, #tpu.memory_space<vmem>>, %arg11: memref<128x128xf32, #tpu.memory_space<vmem>>, %arg12: memref<10240x128xf32, #tpu.memory_space<vmem_shared>>, %arg13: memref<!tpu.dma_semaphore, #tpu.memory_space<semaphore_mem>>, %arg14: memref<!tpu.dma_semaphore, #tpu.memory_space<semaphore_mem>>, %arg15: memref<!tpu.dma_semaphore, #tpu.memory_space<semaphore_mem>>, %arg16: memref<!tpu.dma_semaphore, #tpu.memory_space<semaphore_mem>>) attributes {dimension_semantics = [#tpu.dimension_semantics<core_parallel>, #tpu.dimension_semantics<subcore_parallel>], iteration_bounds = array<i64: 2, 16>, scalar_prefetch = 0 : i64, scratch_operands = 10 : i64, tpu.core_type = #tpu.core_type<sc_vector_subcore>, window_params = [{transform_indices = #map}, {transform_indices = #map}, {transform_indices = #map1}, {transform_indices = #map1}, {transform_indices = #map}]} {
    %mul3A = arith.constant 16 : i32
    %mul3A_0 = arith.muli %arg0, %mul3A : i32
    %add3A = arith.addi %mul3A_0, %arg1 : i32
    %mul3A_1 = arith.constant 640 : i32
    %mul3A_2 = arith.muli %arg1, %mul3A_1 : i32
    "tpu.region"() ({
      %run_scoped3A_21 = tpu.sem_alloc : memref<!tpu.dma_semaphore, #tpu.memory_space<semaphore_mem>>
      %dma_start3A_22 = arith.constant 0 : i32
      %dma_start3A_23 = tpu.memref_slice %arg12[%mul3A_2, %dma_start3A_22] : memref<10240x128xf32, #tpu.memory_space<vmem_shared>> -> memref<640x128xf32, #tpu.memory_space<vmem_shared>>
      tpu.enqueue_dma source(%arg5 : memref<640x128xf32, #tpu.memory_space<hbm>>) target(%dma_start3A_23 : memref<640x128xf32, #tpu.memory_space<vmem_shared>>) target_semaphore(%run_scoped3A_21 : memref<!tpu.dma_semaphore, #tpu.memory_space<semaphore_mem>>)
      %dma_wait3A = arith.constant 0 : i32
      %dma_wait3A_24 = tpu.memref_slice %arg12[%mul3A_2, %dma_wait3A] : memref<10240x128xf32, #tpu.memory_space<vmem_shared>> -> memref<640x128xf32, #tpu.memory_space<vmem_shared>>
      tpu.wait_dma2 semaphore(%run_scoped3A_21 : memref<!tpu.dma_semaphore, #tpu.memory_space<semaphore_mem>>) src(%arg5 : memref<640x128xf32, #tpu.memory_space<hbm>>) dst(%dma_wait3A_24 : memref<640x128xf32, #tpu.memory_space<vmem_shared>>)
      tpu.yield
    }) : () -> ()
    "tpu.region"() ({
      %run_scoped3A_21 = tpu.sem_alloc : memref<!tpu.dma_semaphore, #tpu.memory_space<semaphore_mem>>
      %dma_start3A_22 = arith.constant 0 : i32
      %dma_start3A_23 = arith.constant 0 : i32
      %dma_start3A_24 = tpu.memref_slice %arg3[%add3A, %dma_start3A_22, %dma_start3A_23] : memref<32x80x128xi32, #tpu.memory_space<hbm>> -> memref<1x80x128xi32, #tpu.memory_space<hbm>>
      %dma_start3A_25 = tpu.memref_squeeze %dma_start3A_24 : memref<1x80x128xi32, #tpu.memory_space<hbm>> -> memref<80x128xi32, #tpu.memory_space<hbm>>
      %dma_start3A_26 = arith.constant 0 : i32
      %dma_start3A_27 = arith.constant 0 : i32
      %dma_start3A_28 = tpu.memref_slice %arg3[%add3A, %dma_start3A_26, %dma_start3A_27] : memref<32x80x128xi32, #tpu.memory_space<hbm>> -> memref<1x80x128xi32, #tpu.memory_space<hbm>>
      %dma_start3A_29 = tpu.memref_squeeze %dma_start3A_28 : memref<1x80x128xi32, #tpu.memory_space<hbm>> -> memref<80x128xi32, #tpu.memory_space<hbm>>
      tpu.enqueue_dma source(%dma_start3A_29 : memref<80x128xi32, #tpu.memory_space<hbm>>) target(%arg7 : memref<80x128xi32, #tpu.memory_space<vmem>>) target_semaphore(%run_scoped3A_21 : memref<!tpu.dma_semaphore, #tpu.memory_space<semaphore_mem>>)
      %dma_wait3A = arith.constant 0 : i32
      %dma_wait3A_30 = arith.constant 0 : i32
      %dma_wait3A_31 = tpu.memref_slice %arg3[%add3A, %dma_wait3A, %dma_wait3A_30] : memref<32x80x128xi32, #tpu.memory_space<hbm>> -> memref<1x80x128xi32, #tpu.memory_space<hbm>>
      %dma_wait3A_32 = tpu.memref_squeeze %dma_wait3A_31 : memref<1x80x128xi32, #tpu.memory_space<hbm>> -> memref<80x128xi32, #tpu.memory_space<hbm>>
      %dma_wait3A_33 = arith.constant 0 : i32
      %dma_wait3A_34 = arith.constant 0 : i32
      %dma_wait3A_35 = tpu.memref_slice %arg3[%add3A, %dma_wait3A_33, %dma_wait3A_34] : memref<32x80x128xi32, #tpu.memory_space<hbm>> -> memref<1x80x128xi32, #tpu.memory_space<hbm>>
      %dma_wait3A_36 = tpu.memref_squeeze %dma_wait3A_35 : memref<1x80x128xi32, #tpu.memory_space<hbm>> -> memref<80x128xi32, #tpu.memory_space<hbm>>
      tpu.wait_dma2 semaphore(%run_scoped3A_21 : memref<!tpu.dma_semaphore, #tpu.memory_space<semaphore_mem>>) src(%dma_wait3A_36 : memref<80x128xi32, #tpu.memory_space<hbm>>) dst(%arg7 : memref<80x128xi32, #tpu.memory_space<vmem>>)
      tpu.yield
    }) : () -> ()
    %run_scoped3A = arith.constant 0 : i32
    "tpu.region"() ({
      %run_scoped3A_21 = tpu.sem_alloc : memref<!tpu.dma_semaphore, #tpu.memory_space<semaphore_mem>>
      %dma_start3A_22 = arith.constant 0 : i32
      %dma_start3A_23 = tpu.memref_slice %arg2[%add3A, %run_scoped3A, %dma_start3A_22] : memref<32x80x128xi32, #tpu.memory_space<hbm>> -> memref<1x1x128xi32, #tpu.memory_space<hbm>>
      %dma_start3A_24 = tpu.memref_squeeze %dma_start3A_23 : memref<1x1x128xi32, #tpu.memory_space<hbm>> -> memref<128xi32, #tpu.memory_space<hbm>>
      %dma_start3A_25 = arith.constant 0 : i32
      %dma_start3A_26 = tpu.memref_slice %arg2[%add3A, %run_scoped3A, %dma_start3A_25] : memref<32x80x128xi32, #tpu.memory_space<hbm>> -> memref<1x1x128xi32, #tpu.memory_space<hbm>>
      %dma_start3A_27 = tpu.memref_squeeze %dma_start3A_26 : memref<1x1x128xi32, #tpu.memory_space<hbm>> -> memref<128xi32, #tpu.memory_space<hbm>>
      tpu.enqueue_dma source(%dma_start3A_27 : memref<128xi32, #tpu.memory_space<hbm>>) target(%arg8 : memref<128xi32, #tpu.memory_space<vmem>>) target_semaphore(%run_scoped3A_21 : memref<!tpu.dma_semaphore, #tpu.memory_space<semaphore_mem>>)
      %dma_wait3A = arith.constant 0 : i32
      %dma_wait3A_28 = tpu.memref_slice %arg2[%add3A, %run_scoped3A, %dma_wait3A] : memref<32x80x128xi32, #tpu.memory_space<hbm>> -> memref<1x1x128xi32, #tpu.memory_space<hbm>>
      %dma_wait3A_29 = tpu.memref_squeeze %dma_wait3A_28 : memref<1x1x128xi32, #tpu.memory_space<hbm>> -> memref<128xi32, #tpu.memory_space<hbm>>
      %dma_wait3A_30 = arith.constant 0 : i32
      %dma_wait3A_31 = tpu.memref_slice %arg2[%add3A, %run_scoped3A, %dma_wait3A_30] : memref<32x80x128xi32, #tpu.memory_space<hbm>> -> memref<1x1x128xi32, #tpu.memory_space<hbm>>
      %dma_wait3A_32 = tpu.memref_squeeze %dma_wait3A_31 : memref<1x1x128xi32, #tpu.memory_space<hbm>> -> memref<128xi32, #tpu.memory_space<hbm>>
      tpu.wait_dma2 semaphore(%run_scoped3A_21 : memref<!tpu.dma_semaphore, #tpu.memory_space<semaphore_mem>>) src(%dma_wait3A_32 : memref<128xi32, #tpu.memory_space<hbm>>) dst(%arg8 : memref<128xi32, #tpu.memory_space<vmem>>)
      tpu.yield
    }) : () -> ()
    %barrier3A = arith.constant 0 : index
    tpu.barrier barrier_id(%barrier3A)
    %dma_start3A = arith.constant 0 : i32
    %dma_start3A_3 = arith.constant 0 : i32
    %dma_start3A_4 = tpu.memref_slice %arg4[%dma_start3A, %dma_start3A_3] : memref<10240x128xf32, #tpu.memory_space<hbm>> -> memref<10240x128xf32, #tpu.memory_space<hbm>>
    tpu.enqueue_indirect_dma source(%dma_start3A_4 : memref<10240x128xf32, #tpu.memory_space<hbm>>) target(%arg10 : memref<128x128xf32, #tpu.memory_space<vmem>>) offsets(%arg8 : memref<128xi32, #tpu.memory_space<vmem>>) semaphore(%arg15 : memref<!tpu.dma_semaphore, #tpu.memory_space<semaphore_mem>>)
    %dma_start3A_5 = arith.constant 1 : i32
    %dma_start3A_6 = arith.constant 0 : i32
    %dma_start3A_7 = tpu.memref_slice %arg2[%add3A, %dma_start3A_5, %dma_start3A_6] : memref<32x80x128xi32, #tpu.memory_space<hbm>> -> memref<1x1x128xi32, #tpu.memory_space<hbm>>
    %dma_start3A_8 = tpu.memref_squeeze %dma_start3A_7 : memref<1x1x128xi32, #tpu.memory_space<hbm>> -> memref<128xi32, #tpu.memory_space<hbm>>
    %dma_start3A_9 = arith.constant 0 : i32
    %dma_start3A_10 = tpu.memref_slice %arg2[%add3A, %dma_start3A_5, %dma_start3A_9] : memref<32x80x128xi32, #tpu.memory_space<hbm>> -> memref<1x1x128xi32, #tpu.memory_space<hbm>>
    %dma_start3A_11 = tpu.memref_squeeze %dma_start3A_10 : memref<1x1x128xi32, #tpu.memory_space<hbm>> -> memref<128xi32, #tpu.memory_space<hbm>>
    tpu.enqueue_dma source(%dma_start3A_11 : memref<128xi32, #tpu.memory_space<hbm>>) target(%arg9 : memref<128xi32, #tpu.memory_space<vmem>>) target_semaphore(%arg14 : memref<!tpu.dma_semaphore, #tpu.memory_space<semaphore_mem>>)
    %scan3A = arith.constant 0 : i32
    %scan3A_12 = arith.constant 40 : i32
    %scan3A_13 = arith.addi %scan3A, %scan3A_12 : i32
    %scan3A_14 = arith.constant 1 : i32
    scf.for %scan3A_21 = %scan3A to %scan3A_13 step %scan3A_14  : i32 {
      %mul3A_22 = arith.constant 2 : i32
      %mul3A_23 = arith.muli %mul3A_22, %scan3A_21 : i32
      %mul3A_24 = arith.constant 2 : i32
      %mul3A_25 = arith.muli %mul3A_24, %scan3A_21 : i32
      %add3A_26 = arith.constant 1 : i32
      %add3A_27 = arith.addi %mul3A_25, %add3A_26 : i32
      %dma_wait3A = arith.constant 0 : i32
      %dma_wait3A_28 = tpu.memref_slice %arg2[%add3A, %add3A_27, %dma_wait3A] : memref<32x80x128xi32, #tpu.memory_space<hbm>> -> memref<1x1x128xi32, #tpu.memory_space<hbm>>
      %dma_wait3A_29 = tpu.memref_squeeze %dma_wait3A_28 : memref<1x1x128xi32, #tpu.memory_space<hbm>> -> memref<128xi32, #tpu.memory_space<hbm>>
      %dma_wait3A_30 = arith.constant 0 : i32
      %dma_wait3A_31 = tpu.memref_slice %arg2[%add3A, %add3A_27, %dma_wait3A_30] : memref<32x80x128xi32, #tpu.memory_space<hbm>> -> memref<1x1x128xi32, #tpu.memory_space<hbm>>
      %dma_wait3A_32 = tpu.memref_squeeze %dma_wait3A_31 : memref<1x1x128xi32, #tpu.memory_space<hbm>> -> memref<128xi32, #tpu.memory_space<hbm>>
      tpu.wait_dma2 semaphore(%arg14 : memref<!tpu.dma_semaphore, #tpu.memory_space<semaphore_mem>>) src(%dma_wait3A_32 : memref<128xi32, #tpu.memory_space<hbm>>) dst(%arg9 : memref<128xi32, #tpu.memory_space<vmem>>)
      %dma_start3A_33 = arith.constant 0 : i32
      %dma_start3A_34 = arith.constant 0 : i32
      %dma_start3A_35 = tpu.memref_slice %arg4[%dma_start3A_33, %dma_start3A_34] : memref<10240x128xf32, #tpu.memory_space<hbm>> -> memref<10240x128xf32, #tpu.memory_space<hbm>>
      tpu.enqueue_indirect_dma source(%dma_start3A_35 : memref<10240x128xf32, #tpu.memory_space<hbm>>) target(%arg11 : memref<128x128xf32, #tpu.memory_space<vmem>>) offsets(%arg9 : memref<128xi32, #tpu.memory_space<vmem>>) semaphore(%arg16 : memref<!tpu.dma_semaphore, #tpu.memory_space<semaphore_mem>>)
      %dma_wait3A_36 = arith.constant 0 : i32
      %dma_wait3A_37 = arith.constant 0 : i32
      %dma_wait3A_38 = tpu.memref_slice %arg4[%dma_wait3A_36, %dma_wait3A_37] : memref<10240x128xf32, #tpu.memory_space<hbm>> -> memref<10240x128xf32, #tpu.memory_space<hbm>>
      tpu.wait_indirect_dma semaphore(%arg15 : memref<!tpu.dma_semaphore, #tpu.memory_space<semaphore_mem>>) src(%dma_wait3A_38 : memref<10240x128xf32, #tpu.memory_space<hbm>>) dst(%arg10 : memref<128x128xf32, #tpu.memory_space<vmem>>)
      %add3A_39 = arith.constant 2 : i32
      %add3A_40 = arith.addi %mul3A_23, %add3A_39 : i32
      %lt3A = arith.constant 80 : i32
      %lt3A_41 = arith.cmpi slt, %add3A_40, %lt3A : i32
      %convert_element_type3A = arith.extui %lt3A_41 : i1 to i32
      %cond3A = arith.constant 0 : i32
      %cond3A_42 = arith.cmpi ne, %convert_element_type3A, %cond3A : i32
      scf.if %cond3A_42 {
        %add3A_60 = arith.constant 2 : i32
        %add3A_61 = arith.addi %mul3A_23, %add3A_60 : i32
        %dma_start3A_62 = arith.constant 0 : i32
        %dma_start3A_63 = tpu.memref_slice %arg2[%add3A, %add3A_61, %dma_start3A_62] : memref<32x80x128xi32, #tpu.memory_space<hbm>> -> memref<1x1x128xi32, #tpu.memory_space<hbm>>
        %dma_start3A_64 = tpu.memref_squeeze %dma_start3A_63 : memref<1x1x128xi32, #tpu.memory_space<hbm>> -> memref<128xi32, #tpu.memory_space<hbm>>
        %dma_start3A_65 = arith.constant 0 : i32
        %dma_start3A_66 = tpu.memref_slice %arg2[%add3A, %add3A_61, %dma_start3A_65] : memref<32x80x128xi32, #tpu.memory_space<hbm>> -> memref<1x1x128xi32, #tpu.memory_space<hbm>>
        %dma_start3A_67 = tpu.memref_squeeze %dma_start3A_66 : memref<1x1x128xi32, #tpu.memory_space<hbm>> -> memref<128xi32, #tpu.memory_space<hbm>>
        tpu.enqueue_dma source(%dma_start3A_67 : memref<128xi32, #tpu.memory_space<hbm>>) target(%arg8 : memref<128xi32, #tpu.memory_space<vmem>>) target_semaphore(%arg13 : memref<!tpu.dma_semaphore, #tpu.memory_space<semaphore_mem>>)
      } else {
      }
      "tpu.region"() ({
        %run_scoped3A_60 = tpu.sem_alloc : memref<!tpu.dma_semaphore, #tpu.memory_space<semaphore_mem>>
        %dma_start3A_61 = arith.constant 0 : i32
        %dma_start3A_62 = tpu.memref_slice %arg7[%mul3A_23, %dma_start3A_61] : memref<80x128xi32, #tpu.memory_space<vmem>> -> memref<1x128xi32, #tpu.memory_space<vmem>>
        %dma_start3A_63 = tpu.memref_squeeze %dma_start3A_62 : memref<1x128xi32, #tpu.memory_space<vmem>> -> memref<128xi32, #tpu.memory_space<vmem>>
        %dma_start3A_64 = arith.constant 0 : i32
        %dma_start3A_65 = arith.constant 0 : i32
        %dma_start3A_66 = tpu.memref_slice %arg12[%dma_start3A_64, %dma_start3A_65] : memref<10240x128xf32, #tpu.memory_space<vmem_shared>> -> memref<10240x128xf32, #tpu.memory_space<vmem_shared>>
        tpu.enqueue_indirect_dma source(%arg10 : memref<128x128xf32, #tpu.memory_space<vmem>>) target(%dma_start3A_66 : memref<10240x128xf32, #tpu.memory_space<vmem_shared>>) offsets(%dma_start3A_63 : memref<128xi32, #tpu.memory_space<vmem>>) semaphore(%run_scoped3A_60 : memref<!tpu.dma_semaphore, #tpu.memory_space<semaphore_mem>>) {add = true}
        %dma_wait3A_67 = arith.constant 0 : i32
        %dma_wait3A_68 = tpu.memref_slice %arg7[%mul3A_23, %dma_wait3A_67] : memref<80x128xi32, #tpu.memory_space<vmem>> -> memref<1x128xi32, #tpu.memory_space<vmem>>
        %dma_wait3A_69 = tpu.memref_squeeze %dma_wait3A_68 : memref<1x128xi32, #tpu.memory_space<vmem>> -> memref<128xi32, #tpu.memory_space<vmem>>
        %dma_wait3A_70 = arith.constant 0 : i32
        %dma_wait3A_71 = arith.constant 0 : i32
        %dma_wait3A_72 = tpu.memref_slice %arg12[%dma_wait3A_70, %dma_wait3A_71] : memref<10240x128xf32, #tpu.memory_space<vmem_shared>> -> memref<10240x128xf32, #tpu.memory_space<vmem_shared>>
        tpu.wait_indirect_dma semaphore(%run_scoped3A_60 : memref<!tpu.dma_semaphore, #tpu.memory_space<semaphore_mem>>) src(%arg10 : memref<128x128xf32, #tpu.memory_space<vmem>>) dst(%dma_wait3A_72 : memref<10240x128xf32, #tpu.memory_space<vmem_shared>>)
        tpu.yield
      }) : () -> ()
      %dma_wait3A_43 = arith.constant 0 : i32
      %dma_wait3A_44 = arith.constant 0 : i32
      %dma_wait3A_45 = tpu.memref_slice %arg4[%dma_wait3A_43, %dma_wait3A_44] : memref<10240x128xf32, #tpu.memory_space<hbm>> -> memref<10240x128xf32, #tpu.memory_space<hbm>>
      tpu.wait_indirect_dma semaphore(%arg16 : memref<!tpu.dma_semaphore, #tpu.memory_space<semaphore_mem>>) src(%dma_wait3A_45 : memref<10240x128xf32, #tpu.memory_space<hbm>>) dst(%arg11 : memref<128x128xf32, #tpu.memory_space<vmem>>)
      %add3A_46 = arith.constant 2 : i32
      %add3A_47 = arith.addi %mul3A_23, %add3A_46 : i32
      %lt3A_48 = arith.constant 80 : i32
      %lt3A_49 = arith.cmpi slt, %add3A_47, %lt3A_48 : i32
      %convert_element_type3A_50 = arith.extui %lt3A_49 : i1 to i32
      %cond3A_51 = arith.constant 0 : i32
      %cond3A_52 = arith.cmpi ne, %convert_element_type3A_50, %cond3A_51 : i32
      scf.if %cond3A_52 {
        %add3A_60 = arith.constant 2 : i32
        %add3A_61 = arith.addi %mul3A_23, %add3A_60 : i32
        %dma_wait3A_62 = arith.constant 0 : i32
        %dma_wait3A_63 = tpu.memref_slice %arg2[%add3A, %add3A_61, %dma_wait3A_62] : memref<32x80x128xi32, #tpu.memory_space<hbm>> -> memref<1x1x128xi32, #tpu.memory_space<hbm>>
        %dma_wait3A_64 = tpu.memref_squeeze %dma_wait3A_63 : memref<1x1x128xi32, #tpu.memory_space<hbm>> -> memref<128xi32, #tpu.memory_space<hbm>>
        %dma_wait3A_65 = arith.constant 0 : i32
        %dma_wait3A_66 = tpu.memref_slice %arg2[%add3A, %add3A_61, %dma_wait3A_65] : memref<32x80x128xi32, #tpu.memory_space<hbm>> -> memref<1x1x128xi32, #tpu.memory_space<hbm>>
        %dma_wait3A_67 = tpu.memref_squeeze %dma_wait3A_66 : memref<1x1x128xi32, #tpu.memory_space<hbm>> -> memref<128xi32, #tpu.memory_space<hbm>>
        tpu.wait_dma2 semaphore(%arg13 : memref<!tpu.dma_semaphore, #tpu.memory_space<semaphore_mem>>) src(%dma_wait3A_67 : memref<128xi32, #tpu.memory_space<hbm>>) dst(%arg8 : memref<128xi32, #tpu.memory_space<vmem>>)
        %dma_start3A_68 = arith.constant 0 : i32
        %dma_start3A_69 = arith.constant 0 : i32
        %dma_start3A_70 = tpu.memref_slice %arg4[%dma_start3A_68, %dma_start3A_69] : memref<10240x128xf32, #tpu.memory_space<hbm>> -> memref<10240x128xf32, #tpu.memory_space<hbm>>
        tpu.enqueue_indirect_dma source(%dma_start3A_70 : memref<10240x128xf32, #tpu.memory_space<hbm>>) target(%arg10 : memref<128x128xf32, #tpu.memory_space<vmem>>) offsets(%arg8 : memref<128xi32, #tpu.memory_space<vmem>>) semaphore(%arg15 : memref<!tpu.dma_semaphore, #tpu.memory_space<semaphore_mem>>)
      } else {
      }
      %add3A_53 = arith.constant 2 : i32
      %add3A_54 = arith.addi %add3A_27, %add3A_53 : i32
      %lt3A_55 = arith.constant 80 : i32
      %lt3A_56 = arith.cmpi slt, %add3A_54, %lt3A_55 : i32
      %convert_element_type3A_57 = arith.extui %lt3A_56 : i1 to i32
      %cond3A_58 = arith.constant 0 : i32
      %cond3A_59 = arith.cmpi ne, %convert_element_type3A_57, %cond3A_58 : i32
      scf.if %cond3A_59 {
        %add3A_60 = arith.constant 2 : i32
        %add3A_61 = arith.addi %add3A_27, %add3A_60 : i32
        %dma_start3A_62 = arith.constant 0 : i32
        %dma_start3A_63 = tpu.memref_slice %arg2[%add3A, %add3A_61, %dma_start3A_62] : memref<32x80x128xi32, #tpu.memory_space<hbm>> -> memref<1x1x128xi32, #tpu.memory_space<hbm>>
        %dma_start3A_64 = tpu.memref_squeeze %dma_start3A_63 : memref<1x1x128xi32, #tpu.memory_space<hbm>> -> memref<128xi32, #tpu.memory_space<hbm>>
        %dma_start3A_65 = arith.constant 0 : i32
        %dma_start3A_66 = tpu.memref_slice %arg2[%add3A, %add3A_61, %dma_start3A_65] : memref<32x80x128xi32, #tpu.memory_space<hbm>> -> memref<1x1x128xi32, #tpu.memory_space<hbm>>
        %dma_start3A_67 = tpu.memref_squeeze %dma_start3A_66 : memref<1x1x128xi32, #tpu.memory_space<hbm>> -> memref<128xi32, #tpu.memory_space<hbm>>
        tpu.enqueue_dma source(%dma_start3A_67 : memref<128xi32, #tpu.memory_space<hbm>>) target(%arg9 : memref<128xi32, #tpu.memory_space<vmem>>) target_semaphore(%arg14 : memref<!tpu.dma_semaphore, #tpu.memory_space<semaphore_mem>>)
      } else {
      }
      "tpu.region"() ({
        %run_scoped3A_60 = tpu.sem_alloc : memref<!tpu.dma_semaphore, #tpu.memory_space<semaphore_mem>>
        %dma_start3A_61 = arith.constant 0 : i32
        %dma_start3A_62 = tpu.memref_slice %arg7[%add3A_27, %dma_start3A_61] : memref<80x128xi32, #tpu.memory_space<vmem>> -> memref<1x128xi32, #tpu.memory_space<vmem>>
        %dma_start3A_63 = tpu.memref_squeeze %dma_start3A_62 : memref<1x128xi32, #tpu.memory_space<vmem>> -> memref<128xi32, #tpu.memory_space<vmem>>
        %dma_start3A_64 = arith.constant 0 : i32
        %dma_start3A_65 = arith.constant 0 : i32
        %dma_start3A_66 = tpu.memref_slice %arg12[%dma_start3A_64, %dma_start3A_65] : memref<10240x128xf32, #tpu.memory_space<vmem_shared>> -> memref<10240x128xf32, #tpu.memory_space<vmem_shared>>
        tpu.enqueue_indirect_dma source(%arg11 : memref<128x128xf32, #tpu.memory_space<vmem>>) target(%dma_start3A_66 : memref<10240x128xf32, #tpu.memory_space<vmem_shared>>) offsets(%dma_start3A_63 : memref<128xi32, #tpu.memory_space<vmem>>) semaphore(%run_scoped3A_60 : memref<!tpu.dma_semaphore, #tpu.memory_space<semaphore_mem>>) {add = true}
        %dma_wait3A_67 = arith.constant 0 : i32
        %dma_wait3A_68 = tpu.memref_slice %arg7[%add3A_27, %dma_wait3A_67] : memref<80x128xi32, #tpu.memory_space<vmem>> -> memref<1x128xi32, #tpu.memory_space<vmem>>
        %dma_wait3A_69 = tpu.memref_squeeze %dma_wait3A_68 : memref<1x128xi32, #tpu.memory_space<vmem>> -> memref<128xi32, #tpu.memory_space<vmem>>
        %dma_wait3A_70 = arith.constant 0 : i32
        %dma_wait3A_71 = arith.constant 0 : i32
        %dma_wait3A_72 = tpu.memref_slice %arg12[%dma_wait3A_70, %dma_wait3A_71] : memref<10240x128xf32, #tpu.memory_space<vmem_shared>> -> memref<10240x128xf32, #tpu.memory_space<vmem_shared>>
        tpu.wait_indirect_dma semaphore(%run_scoped3A_60 : memref<!tpu.dma_semaphore, #tpu.memory_space<semaphore_mem>>) src(%arg11 : memref<128x128xf32, #tpu.memory_space<vmem>>) dst(%dma_wait3A_72 : memref<10240x128xf32, #tpu.memory_space<vmem_shared>>)
        tpu.yield
      }) : () -> ()
    }
    %scan3A_15 = arith.constant 40 : i32
    %barrier3A_16 = arith.constant 0 : index
    tpu.barrier barrier_id(%barrier3A_16)
    %mul3A_17 = arith.constant 640 : i32
    %mul3A_18 = arith.muli %arg1, %mul3A_17 : i32
    %mul3A_19 = arith.constant 640 : i32
    %mul3A_20 = arith.muli %arg1, %mul3A_19 : i32
    "tpu.region"() ({
      %run_scoped3A_21 = tpu.sem_alloc : memref<!tpu.dma_semaphore, #tpu.memory_space<semaphore_mem>>
      %dma_start3A_22 = arith.constant 0 : i32
      %dma_start3A_23 = tpu.memref_slice %arg6[%arg0, %mul3A_20, %dma_start3A_22] : memref<2x10240x128xf32, #tpu.memory_space<hbm>> -> memref<1x640x128xf32, #tpu.memory_space<hbm>>
      %dma_start3A_24 = tpu.memref_squeeze %dma_start3A_23 : memref<1x640x128xf32, #tpu.memory_space<hbm>> -> memref<640x128xf32, #tpu.memory_space<hbm>>
      %dma_start3A_25 = arith.constant 0 : i32
      %dma_start3A_26 = tpu.memref_slice %arg12[%mul3A_18, %dma_start3A_25] : memref<10240x128xf32, #tpu.memory_space<vmem_shared>> -> memref<640x128xf32, #tpu.memory_space<vmem_shared>>
      tpu.enqueue_dma source(%dma_start3A_26 : memref<640x128xf32, #tpu.memory_space<vmem_shared>>) target(%dma_start3A_24 : memref<640x128xf32, #tpu.memory_space<hbm>>) target_semaphore(%run_scoped3A_21 : memref<!tpu.dma_semaphore, #tpu.memory_space<semaphore_mem>>)
      %dma_wait3A = arith.constant 0 : i32
      %dma_wait3A_27 = tpu.memref_slice %arg6[%arg0, %mul3A_20, %dma_wait3A] : memref<2x10240x128xf32, #tpu.memory_space<hbm>> -> memref<1x640x128xf32, #tpu.memory_space<hbm>>
      %dma_wait3A_28 = tpu.memref_squeeze %dma_wait3A_27 : memref<1x640x128xf32, #tpu.memory_space<hbm>> -> memref<640x128xf32, #tpu.memory_space<hbm>>
      %dma_wait3A_29 = arith.constant 0 : i32
      %dma_wait3A_30 = tpu.memref_slice %arg12[%mul3A_18, %dma_wait3A_29] : memref<10240x128xf32, #tpu.memory_space<vmem_shared>> -> memref<640x128xf32, #tpu.memory_space<vmem_shared>>
      tpu.wait_dma2 semaphore(%run_scoped3A_21 : memref<!tpu.dma_semaphore, #tpu.memory_space<semaphore_mem>>) src(%dma_wait3A_30 : memref<640x128xf32, #tpu.memory_space<vmem_shared>>) dst(%dma_wait3A_28 : memref<640x128xf32, #tpu.memory_space<hbm>>)
      tpu.yield
    }) : () -> ()
    return
  }
}

#map = affine_map<(d0, d1) -> (0, 0, 0)>
#map1 = affine_map<(d0, d1) -> (0, 0)>
module attributes {stable_mosaic.version = 14 : i64} {
  func.func @k(%arg0: i32, %arg1: i32, %arg2: memref<32x80x128xi32, #tpu.memory_space<hbm>>, %arg3: memref<128x16xf32, #tpu.memory_space<hbm>>, %arg4: memref<640x16xf32, #tpu.memory_space<hbm>>, %arg5: memref<2x10240x16xf32, #tpu.memory_space<hbm>>, %arg6: memref<80x128xi32, #tpu.memory_space<vmem>>, %arg7: memref<128x16xf32, #tpu.memory_space<vmem>>, %arg8: memref<10240x16xf32, #tpu.memory_space<vmem_shared>>) attributes {dimension_semantics = [#tpu.dimension_semantics<core_parallel>, #tpu.dimension_semantics<subcore_parallel>], iteration_bounds = array<i64: 2, 16>, scalar_prefetch = 0 : i64, scratch_operands = 3 : i64, tpu.core_type = #tpu.core_type<sc_vector_subcore>, window_params = [{transform_indices = #map}, {transform_indices = #map1}, {transform_indices = #map1}, {transform_indices = #map}]} {
    %mul3A = arith.constant 640 : i32
    %mul3A_0 = arith.muli %arg1, %mul3A : i32
    "tpu.region"() ({
      %run_scoped3A = tpu.sem_alloc : memref<!tpu.dma_semaphore, #tpu.memory_space<semaphore_mem>>
      %dma_start3A = arith.constant 0 : i32
      %dma_start3A_12 = tpu.memref_slice %arg8[%mul3A_0, %dma_start3A] : memref<10240x16xf32, #tpu.memory_space<vmem_shared>> -> memref<640x16xf32, #tpu.memory_space<vmem_shared>>
      tpu.enqueue_dma source(%arg4 : memref<640x16xf32, #tpu.memory_space<hbm>>) target(%dma_start3A_12 : memref<640x16xf32, #tpu.memory_space<vmem_shared>>) target_semaphore(%run_scoped3A : memref<!tpu.dma_semaphore, #tpu.memory_space<semaphore_mem>>)
      %dma_wait3A = arith.constant 0 : i32
      %dma_wait3A_13 = tpu.memref_slice %arg8[%mul3A_0, %dma_wait3A] : memref<10240x16xf32, #tpu.memory_space<vmem_shared>> -> memref<640x16xf32, #tpu.memory_space<vmem_shared>>
      tpu.wait_dma2 semaphore(%run_scoped3A : memref<!tpu.dma_semaphore, #tpu.memory_space<semaphore_mem>>) src(%arg4 : memref<640x16xf32, #tpu.memory_space<hbm>>) dst(%dma_wait3A_13 : memref<640x16xf32, #tpu.memory_space<vmem_shared>>)
      tpu.yield
    }) : () -> ()
    "tpu.region"() ({
      %run_scoped3A = tpu.sem_alloc : memref<!tpu.dma_semaphore, #tpu.memory_space<semaphore_mem>>
      tpu.enqueue_dma source(%arg3 : memref<128x16xf32, #tpu.memory_space<hbm>>) target(%arg7 : memref<128x16xf32, #tpu.memory_space<vmem>>) target_semaphore(%run_scoped3A : memref<!tpu.dma_semaphore, #tpu.memory_space<semaphore_mem>>)
      tpu.wait_dma2 semaphore(%run_scoped3A : memref<!tpu.dma_semaphore, #tpu.memory_space<semaphore_mem>>) src(%arg3 : memref<128x16xf32, #tpu.memory_space<hbm>>) dst(%arg7 : memref<128x16xf32, #tpu.memory_space<vmem>>)
      tpu.yield
    }) : () -> ()
    %mul3A_1 = arith.constant 16 : i32
    %mul3A_2 = arith.muli %arg0, %mul3A_1 : i32
    %add3A = arith.addi %mul3A_2, %arg1 : i32
    "tpu.region"() ({
      %run_scoped3A = tpu.sem_alloc : memref<!tpu.dma_semaphore, #tpu.memory_space<semaphore_mem>>
      %dma_start3A = arith.constant 0 : i32
      %dma_start3A_12 = arith.constant 0 : i32
      %dma_start3A_13 = tpu.memref_slice %arg2[%add3A, %dma_start3A, %dma_start3A_12] : memref<32x80x128xi32, #tpu.memory_space<hbm>> -> memref<1x80x128xi32, #tpu.memory_space<hbm>>
      %dma_start3A_14 = tpu.memref_squeeze %dma_start3A_13 : memref<1x80x128xi32, #tpu.memory_space<hbm>> -> memref<80x128xi32, #tpu.memory_space<hbm>>
      %dma_start3A_15 = arith.constant 0 : i32
      %dma_start3A_16 = arith.constant 0 : i32
      %dma_start3A_17 = tpu.memref_slice %arg2[%add3A, %dma_start3A_15, %dma_start3A_16] : memref<32x80x128xi32, #tpu.memory_space<hbm>> -> memref<1x80x128xi32, #tpu.memory_space<hbm>>
      %dma_start3A_18 = tpu.memref_squeeze %dma_start3A_17 : memref<1x80x128xi32, #tpu.memory_space<hbm>> -> memref<80x128xi32, #tpu.memory_space<hbm>>
      tpu.enqueue_dma source(%dma_start3A_18 : memref<80x128xi32, #tpu.memory_space<hbm>>) target(%arg6 : memref<80x128xi32, #tpu.memory_space<vmem>>) target_semaphore(%run_scoped3A : memref<!tpu.dma_semaphore, #tpu.memory_space<semaphore_mem>>)
      %dma_wait3A = arith.constant 0 : i32
      %dma_wait3A_19 = arith.constant 0 : i32
      %dma_wait3A_20 = tpu.memref_slice %arg2[%add3A, %dma_wait3A, %dma_wait3A_19] : memref<32x80x128xi32, #tpu.memory_space<hbm>> -> memref<1x80x128xi32, #tpu.memory_space<hbm>>
      %dma_wait3A_21 = tpu.memref_squeeze %dma_wait3A_20 : memref<1x80x128xi32, #tpu.memory_space<hbm>> -> memref<80x128xi32, #tpu.memory_space<hbm>>
      %dma_wait3A_22 = arith.constant 0 : i32
      %dma_wait3A_23 = arith.constant 0 : i32
      %dma_wait3A_24 = tpu.memref_slice %arg2[%add3A, %dma_wait3A_22, %dma_wait3A_23] : memref<32x80x128xi32, #tpu.memory_space<hbm>> -> memref<1x80x128xi32, #tpu.memory_space<hbm>>
      %dma_wait3A_25 = tpu.memref_squeeze %dma_wait3A_24 : memref<1x80x128xi32, #tpu.memory_space<hbm>> -> memref<80x128xi32, #tpu.memory_space<hbm>>
      tpu.wait_dma2 semaphore(%run_scoped3A : memref<!tpu.dma_semaphore, #tpu.memory_space<semaphore_mem>>) src(%dma_wait3A_25 : memref<80x128xi32, #tpu.memory_space<hbm>>) dst(%arg6 : memref<80x128xi32, #tpu.memory_space<vmem>>)
      tpu.yield
    }) : () -> ()
    %barrier3A = arith.constant 0 : index
    tpu.barrier barrier_id(%barrier3A)
    %scan3A = arith.constant 0 : i32
    %scan3A_3 = arith.constant 80 : i32
    %scan3A_4 = arith.addi %scan3A, %scan3A_3 : i32
    %scan3A_5 = arith.constant 1 : i32
    scf.for %scan3A_12 = %scan3A to %scan3A_4 step %scan3A_5  : i32 {
      "tpu.region"() ({
        %run_scoped3A = tpu.sem_alloc : memref<!tpu.dma_semaphore, #tpu.memory_space<semaphore_mem>>
        %dma_start3A = arith.constant 0 : i32
        %dma_start3A_13 = tpu.memref_slice %arg6[%scan3A_12, %dma_start3A] : memref<80x128xi32, #tpu.memory_space<vmem>> -> memref<1x128xi32, #tpu.memory_space<vmem>>
        %dma_start3A_14 = tpu.memref_squeeze %dma_start3A_13 : memref<1x128xi32, #tpu.memory_space<vmem>> -> memref<128xi32, #tpu.memory_space<vmem>>
        %dma_start3A_15 = arith.constant 0 : i32
        %dma_start3A_16 = arith.constant 0 : i32
        %dma_start3A_17 = tpu.memref_slice %arg8[%dma_start3A_15, %dma_start3A_16] : memref<10240x16xf32, #tpu.memory_space<vmem_shared>> -> memref<10240x16xf32, #tpu.memory_space<vmem_shared>>
        tpu.enqueue_indirect_dma source(%arg7 : memref<128x16xf32, #tpu.memory_space<vmem>>) target(%dma_start3A_17 : memref<10240x16xf32, #tpu.memory_space<vmem_shared>>) offsets(%dma_start3A_14 : memref<128xi32, #tpu.memory_space<vmem>>) semaphore(%run_scoped3A : memref<!tpu.dma_semaphore, #tpu.memory_space<semaphore_mem>>) {add = true}
        %dma_wait3A = arith.constant 0 : i32
        %dma_wait3A_18 = tpu.memref_slice %arg6[%scan3A_12, %dma_wait3A] : memref<80x128xi32, #tpu.memory_space<vmem>> -> memref<1x128xi32, #tpu.memory_space<vmem>>
        %dma_wait3A_19 = tpu.memref_squeeze %dma_wait3A_18 : memref<1x128xi32, #tpu.memory_space<vmem>> -> memref<128xi32, #tpu.memory_space<vmem>>
        %dma_wait3A_20 = arith.constant 0 : i32
        %dma_wait3A_21 = arith.constant 0 : i32
        %dma_wait3A_22 = tpu.memref_slice %arg8[%dma_wait3A_20, %dma_wait3A_21] : memref<10240x16xf32, #tpu.memory_space<vmem_shared>> -> memref<10240x16xf32, #tpu.memory_space<vmem_shared>>
        tpu.wait_indirect_dma semaphore(%run_scoped3A : memref<!tpu.dma_semaphore, #tpu.memory_space<semaphore_mem>>) src(%arg7 : memref<128x16xf32, #tpu.memory_space<vmem>>) dst(%dma_wait3A_22 : memref<10240x16xf32, #tpu.memory_space<vmem_shared>>)
        tpu.yield
      }) : () -> ()
    }
    %scan3A_6 = arith.constant 80 : i32
    %barrier3A_7 = arith.constant 0 : index
    tpu.barrier barrier_id(%barrier3A_7)
    %mul3A_8 = arith.constant 640 : i32
    %mul3A_9 = arith.muli %arg1, %mul3A_8 : i32
    %mul3A_10 = arith.constant 640 : i32
    %mul3A_11 = arith.muli %arg1, %mul3A_10 : i32
    "tpu.region"() ({
      %run_scoped3A = tpu.sem_alloc : memref<!tpu.dma_semaphore, #tpu.memory_space<semaphore_mem>>
      %dma_start3A = arith.constant 0 : i32
      %dma_start3A_12 = tpu.memref_slice %arg5[%arg0, %mul3A_11, %dma_start3A] : memref<2x10240x16xf32, #tpu.memory_space<hbm>> -> memref<1x640x16xf32, #tpu.memory_space<hbm>>
      %dma_start3A_13 = tpu.memref_squeeze %dma_start3A_12 : memref<1x640x16xf32, #tpu.memory_space<hbm>> -> memref<640x16xf32, #tpu.memory_space<hbm>>
      %dma_start3A_14 = arith.constant 0 : i32
      %dma_start3A_15 = tpu.memref_slice %arg8[%mul3A_9, %dma_start3A_14] : memref<10240x16xf32, #tpu.memory_space<vmem_shared>> -> memref<640x16xf32, #tpu.memory_space<vmem_shared>>
      tpu.enqueue_dma source(%dma_start3A_15 : memref<640x16xf32, #tpu.memory_space<vmem_shared>>) target(%dma_start3A_13 : memref<640x16xf32, #tpu.memory_space<hbm>>) target_semaphore(%run_scoped3A : memref<!tpu.dma_semaphore, #tpu.memory_space<semaphore_mem>>)
      %dma_wait3A = arith.constant 0 : i32
      %dma_wait3A_16 = tpu.memref_slice %arg5[%arg0, %mul3A_11, %dma_wait3A] : memref<2x10240x16xf32, #tpu.memory_space<hbm>> -> memref<1x640x16xf32, #tpu.memory_space<hbm>>
      %dma_wait3A_17 = tpu.memref_squeeze %dma_wait3A_16 : memref<1x640x16xf32, #tpu.memory_space<hbm>> -> memref<640x16xf32, #tpu.memory_space<hbm>>
      %dma_wait3A_18 = arith.constant 0 : i32
      %dma_wait3A_19 = tpu.memref_slice %arg8[%mul3A_9, %dma_wait3A_18] : memref<10240x16xf32, #tpu.memory_space<vmem_shared>> -> memref<640x16xf32, #tpu.memory_space<vmem_shared>>
      tpu.wait_dma2 semaphore(%run_scoped3A : memref<!tpu.dma_semaphore, #tpu.memory_space<semaphore_mem>>) src(%dma_wait3A_19 : memref<640x16xf32, #tpu.memory_space<vmem_shared>>) dst(%dma_wait3A_17 : memref<640x16xf32, #tpu.memory_space<hbm>>)
      tpu.yield
    }) : () -> ()
    return
  }
}

module attributes {stable_mosaic.version = 14 : i64} {
  func.func @body(%arg0: i32, %arg1: memref<2x2048x16xf32, #tpu.memory_space<vmem>>, %arg2: memref<2048x128xf32, #tpu.memory_space<vmem>>, %arg3: memref<128x128xf32, #tpu.memory_space<vmem>>, %arg4: memref<2048x128xf32, #tpu.memory_space<vmem>>, %arg5: memref<2048xf32, #tpu.memory_space<vmem>>) attributes {dimension_semantics = [#tpu.dimension_semantics<arbitrary>], iteration_bounds = array<i64: 5>, scalar_prefetch = 0 : i64, scratch_operands = 0 : i64, tpu.core_type = #tpu.core_type<tc>, window_params = [{transform_indices = @transform_0, window_bounds = array<i64: 2, 2048, 16>}, {transform_indices = @transform_1, window_bounds = array<i64: 2048, 128>}, {pipeline_mode = #tpu.pipeline_mode<synchronous>, transform_indices = @transform_2, window_bounds = array<i64: 128, 128>}, {transform_indices = @transform_3, window_bounds = array<i64: 2048, 128>}, {transform_indices = @transform_4, window_bounds = array<i64: 2048>}]} {
    %get3A = arith.constant 0 : index
    %get3A_0 = arith.constant 0 : index
    %get3A_1 = arith.constant 0 : index
    %get3A_2 = vector.load %arg1[%get3A, %get3A_0, %get3A_1] : memref<2x2048x16xf32, #tpu.memory_space<vmem>>, vector<1x2048x1xf32>
    %get3A_3 = vector.shape_cast %get3A_2 : vector<1x2048x1xf32> to vector<2048xf32>
    %add3A = arith.constant 1.000000e+00 : f32
    %add3A_4 = vector.broadcast %add3A : f32 to vector<2048xf32>
    %add3A_5 = arith.addf %add3A_4, %get3A_3 : vector<2048xf32>
    %get3A_6 = arith.constant 1 : index
    %get3A_7 = arith.constant 0 : index
    %get3A_8 = arith.constant 0 : index
    %get3A_9 = vector.load %arg1[%get3A_6, %get3A_7, %get3A_8] : memref<2x2048x16xf32, #tpu.memory_space<vmem>>, vector<1x2048x1xf32>
    %get3A_10 = vector.shape_cast %get3A_9 : vector<1x2048x1xf32> to vector<2048xf32>
    %add3A_11 = arith.addf %add3A_5, %get3A_10 : vector<2048xf32>
    %rsqrt3A = math.rsqrt %add3A_11 : vector<2048xf32>
    %get3A_12 = arith.constant 0 : index
    %get3A_13 = arith.constant 0 : index
    %get3A_14 = vector.load %arg2[%get3A_12, %get3A_13] : memref<2048x128xf32, #tpu.memory_space<vmem>>, vector<2048x128xf32>
    %get3A_15 = arith.constant 0 : index
    %get3A_16 = arith.constant 0 : index
    %get3A_17 = vector.load %arg3[%get3A_15, %get3A_16] : memref<128x128xf32, #tpu.memory_space<vmem>>, vector<128x128xf32>
    %dot_general3A = arith.constant dense<0.000000e+00> : vector<2048x128xf32>
    %dot_general3A_18 = tpu.matmul %get3A_14, %get3A_17, %dot_general3A {dimension_numbers = #tpu.dot_dimension_numbers<[1], [0], [0], [1], [0, 0, 1, 1], [], []>, transpose_lhs_hint = false} : vector<2048x128xf32>, vector<128x128xf32>, vector<2048x128xf32> -> vector<2048x128xf32>
    %broadcast_in_dim3A = vector.shape_cast %rsqrt3A : vector<2048xf32> to vector<2048x1xf32>
    %mul3A = vector.broadcast %broadcast_in_dim3A : vector<2048x1xf32> to vector<2048x128xf32>
    %mul3A_19 = arith.mulf %dot_general3A_18, %mul3A : vector<2048x128xf32>
    %swap3A = arith.constant 0 : index
    %swap3A_20 = arith.constant 0 : index
    %swap3A_21 = vector.load %arg4[%swap3A, %swap3A_20] : memref<2048x128xf32, #tpu.memory_space<vmem>>, vector<2048x128xf32>
    tpu.vector_store %arg4[%swap3A, %swap3A_20], %mul3A_19 {strides = array<i32>} : memref<2048x128xf32, #tpu.memory_space<vmem>>, vector<2048x128xf32>,
    %swap3A_22 = arith.constant 0 : index
    %swap3A_23 = vector.load %arg5[%swap3A_22] : memref<2048xf32, #tpu.memory_space<vmem>>, vector<2048xf32>
    tpu.vector_store %arg5[%swap3A_22], %rsqrt3A {strides = array<i32>} : memref<2048xf32, #tpu.memory_space<vmem>>, vector<2048xf32>,
    return
  }
  func.func @transform_0(%arg0: i32) -> (i32, i32, i32) {
    %c0_i32 = arith.constant 0 : i32
    %c0_i32_0 = arith.constant 0 : i32
    %c0_i32_1 = arith.constant 0 : i32
    return %c0_i32, %arg0, %c0_i32_0 : i32, i32, i32
  }
  func.func @transform_1(%arg0: i32) -> (i32, i32) {
    %c0_i32 = arith.constant 0 : i32
    %c0_i32_0 = arith.constant 0 : i32
    return %arg0, %c0_i32 : i32, i32
  }
  func.func @transform_2(%arg0: i32) -> (i32, i32) {
    %c0_i32 = arith.constant 0 : i32
    %c0_i32_0 = arith.constant 0 : i32
    %c0_i32_1 = arith.constant 0 : i32
    return %c0_i32, %c0_i32_0 : i32, i32
  }
  func.func @transform_3(%arg0: i32) -> (i32, i32) {
    %c0_i32 = arith.constant 0 : i32
    %c0_i32_0 = arith.constant 0 : i32
    return %arg0, %c0_i32 : i32, i32
  }
  func.func @transform_4(%arg0: i32) -> i32 {
    %c0_i32 = arith.constant 0 : i32
    return %arg0 : i32
  }
}

module attributes {stable_mosaic.version = 14 : i64} {
  func.func @body(%arg0: i32, %arg1: memref<2x2048x128xf32, #tpu.memory_space<vmem>>, %arg2: memref<2048x128xf32, #tpu.memory_space<vmem>>, %arg3: memref<2048xf32, #tpu.memory_space<vmem>>, %arg4: memref<128xf32, #tpu.memory_space<vmem>>, %arg5: memref<128x128xf32, #tpu.memory_space<vmem>>, %arg6: memref<2048x128xf32, #tpu.memory_space<vmem>>) attributes {dimension_semantics = [#tpu.dimension_semantics<arbitrary>], iteration_bounds = array<i64: 5>, scalar_prefetch = 0 : i64, scratch_operands = 0 : i64, tpu.core_type = #tpu.core_type<tc>, window_params = [{transform_indices = @transform_0, window_bounds = array<i64: 2, 2048, 128>}, {transform_indices = @transform_1, window_bounds = array<i64: 2048, 128>}, {transform_indices = @transform_2, window_bounds = array<i64: 2048>}, {pipeline_mode = #tpu.pipeline_mode<synchronous>, transform_indices = @transform_3, window_bounds = array<i64: 128>}, {pipeline_mode = #tpu.pipeline_mode<synchronous>, transform_indices = @transform_4, window_bounds = array<i64: 128, 128>}, {transform_indices = @transform_5, window_bounds = array<i64: 2048, 128>}]} {
    %get3A = arith.constant 0 : index
    %get3A_0 = vector.load %arg3[%get3A] : memref<2048xf32, #tpu.memory_space<vmem>>, vector<2048xf32>
    %get3A_1 = arith.constant 0 : index
    %get3A_2 = arith.constant 0 : index
    %get3A_3 = arith.constant 0 : index
    %get3A_4 = vector.load %arg1[%get3A_1, %get3A_2, %get3A_3] : memref<2x2048x128xf32, #tpu.memory_space<vmem>>, vector<1x2048x128xf32>
    %get3A_5 = vector.shape_cast %get3A_4 : vector<1x2048x128xf32> to vector<2048x128xf32>
    %get3A_6 = arith.constant 1 : index
    %get3A_7 = arith.constant 0 : index
    %get3A_8 = arith.constant 0 : index
    %get3A_9 = vector.load %arg1[%get3A_6, %get3A_7, %get3A_8] : memref<2x2048x128xf32, #tpu.memory_space<vmem>>, vector<1x2048x128xf32>
    %get3A_10 = vector.shape_cast %get3A_9 : vector<1x2048x128xf32> to vector<2048x128xf32>
    %add3A = arith.addf %get3A_5, %get3A_10 : vector<2048x128xf32>
    %get3A_11 = arith.constant 0 : index
    %get3A_12 = arith.constant 0 : index
    %get3A_13 = vector.load %arg2[%get3A_11, %get3A_12] : memref<2048x128xf32, #tpu.memory_space<vmem>>, vector<2048x128xf32>
    %add3A_14 = arith.addf %add3A, %get3A_13 : vector<2048x128xf32>
    %broadcast_in_dim3A = vector.shape_cast %get3A_0 : vector<2048xf32> to vector<2048x1xf32>
    %mul3A = vector.broadcast %broadcast_in_dim3A : vector<2048x1xf32> to vector<2048x128xf32>
    %mul3A_15 = arith.mulf %add3A_14, %mul3A : vector<2048x128xf32>
    %get3A_16 = arith.constant 0 : index
    %get3A_17 = vector.load %arg4[%get3A_16] : memref<128xf32, #tpu.memory_space<vmem>>, vector<128xf32>
    %broadcast_in_dim3A_18 = vector.shape_cast %get3A_17 : vector<128xf32> to vector<1x128xf32>
    %add3A_19 = vector.broadcast %broadcast_in_dim3A_18 : vector<1x128xf32> to vector<2048x128xf32>
    %add3A_20 = arith.addf %mul3A_15, %add3A_19 : vector<2048x128xf32>
    %max3A = arith.constant 0.000000e+00 : f32
    %max3A_21 = vector.broadcast %max3A : f32 to vector<2048x128xf32>
    %max3A_22 = arith.maximumf %add3A_20, %max3A_21 : vector<2048x128xf32>
    %get3A_23 = arith.constant 0 : index
    %get3A_24 = arith.constant 0 : index
    %get3A_25 = vector.load %arg5[%get3A_23, %get3A_24] : memref<128x128xf32, #tpu.memory_space<vmem>>, vector<128x128xf32>
    %dot_general3A = arith.constant dense<0.000000e+00> : vector<2048x128xf32>
    %dot_general3A_26 = tpu.matmul %max3A_22, %get3A_25, %dot_general3A {dimension_numbers = #tpu.dot_dimension_numbers<[1], [0], [0], [1], [0, 0, 1, 1], [], []>, transpose_lhs_hint = false} : vector<2048x128xf32>, vector<128x128xf32>, vector<2048x128xf32> -> vector<2048x128xf32>
    %broadcast_in_dim3A_27 = vector.shape_cast %get3A_0 : vector<2048xf32> to vector<2048x1xf32>
    %mul3A_28 = vector.broadcast %broadcast_in_dim3A_27 : vector<2048x1xf32> to vector<2048x128xf32>
    %mul3A_29 = arith.mulf %dot_general3A_26, %mul3A_28 : vector<2048x128xf32>
    %swap3A = arith.constant 0 : index
    %swap3A_30 = arith.constant 0 : index
    %swap3A_31 = vector.load %arg6[%swap3A, %swap3A_30] : memref<2048x128xf32, #tpu.memory_space<vmem>>, vector<2048x128xf32>
    tpu.vector_store %arg6[%swap3A, %swap3A_30], %mul3A_29 {strides = array<i32>} : memref<2048x128xf32, #tpu.memory_space<vmem>>, vector<2048x128xf32>,
    return
  }
  func.func @transform_0(%arg0: i32) -> (i32, i32, i32) {
    %c0_i32 = arith.constant 0 : i32
    %c0_i32_0 = arith.constant 0 : i32
    %c0_i32_1 = arith.constant 0 : i32
    return %c0_i32, %arg0, %c0_i32_0 : i32, i32, i32
  }
  func.func @transform_1(%arg0: i32) -> (i32, i32) {
    %c0_i32 = arith.constant 0 : i32
    %c0_i32_0 = arith.constant 0 : i32
    return %arg0, %c0_i32 : i32, i32
  }
  func.func @transform_2(%arg0: i32) -> i32 {
    %c0_i32 = arith.constant 0 : i32
    return %arg0 : i32
  }
  func.func @transform_3(%arg0: i32) -> i32 {
    %c0_i32 = arith.constant 0 : i32
    %c0_i32_0 = arith.constant 0 : i32
    return %c0_i32 : i32
  }
  func.func @transform_4(%arg0: i32) -> (i32, i32) {
    %c0_i32 = arith.constant 0 : i32
    %c0_i32_0 = arith.constant 0 : i32
    %c0_i32_1 = arith.constant 0 : i32
    return %c0_i32, %c0_i32_0 : i32, i32
  }
  func.func @transform_5(%arg0: i32) -> (i32, i32) {
    %c0_i32 = arith.constant 0 : i32
    %c0_i32_0 = arith.constant 0 : i32
    return %arg0, %c0_i32 : i32, i32
  }
}

module attributes {stable_mosaic.version = 14 : i64} {
  func.func @body(%arg0: i32, %arg1: memref<2x2048x128xf32, #tpu.memory_space<vmem>>, %arg2: memref<2048x128xf32, #tpu.memory_space<vmem>>, %arg3: memref<2048xf32, #tpu.memory_space<vmem>>, %arg4: memref<128xf32, #tpu.memory_space<vmem>>, %arg5: memref<2048x128xf32, #tpu.memory_space<vmem>>) attributes {dimension_semantics = [#tpu.dimension_semantics<arbitrary>], iteration_bounds = array<i64: 5>, scalar_prefetch = 0 : i64, scratch_operands = 0 : i64, tpu.core_type = #tpu.core_type<tc>, window_params = [{transform_indices = @transform_0, window_bounds = array<i64: 2, 2048, 128>}, {transform_indices = @transform_1, window_bounds = array<i64: 2048, 128>}, {transform_indices = @transform_2, window_bounds = array<i64: 2048>}, {pipeline_mode = #tpu.pipeline_mode<synchronous>, transform_indices = @transform_3, window_bounds = array<i64: 128>}, {transform_indices = @transform_4, window_bounds = array<i64: 2048, 128>}]} {
    %get3A = arith.constant 0 : index
    %get3A_0 = arith.constant 0 : index
    %get3A_1 = arith.constant 0 : index
    %get3A_2 = vector.load %arg1[%get3A, %get3A_0, %get3A_1] : memref<2x2048x128xf32, #tpu.memory_space<vmem>>, vector<1x2048x128xf32>
    %get3A_3 = vector.shape_cast %get3A_2 : vector<1x2048x128xf32> to vector<2048x128xf32>
    %get3A_4 = arith.constant 1 : index
    %get3A_5 = arith.constant 0 : index
    %get3A_6 = arith.constant 0 : index
    %get3A_7 = vector.load %arg1[%get3A_4, %get3A_5, %get3A_6] : memref<2x2048x128xf32, #tpu.memory_space<vmem>>, vector<1x2048x128xf32>
    %get3A_8 = vector.shape_cast %get3A_7 : vector<1x2048x128xf32> to vector<2048x128xf32>
    %add3A = arith.addf %get3A_3, %get3A_8 : vector<2048x128xf32>
    %get3A_9 = arith.constant 0 : index
    %get3A_10 = arith.constant 0 : index
    %get3A_11 = vector.load %arg2[%get3A_9, %get3A_10] : memref<2048x128xf32, #tpu.memory_space<vmem>>, vector<2048x128xf32>
    %add3A_12 = arith.addf %add3A, %get3A_11 : vector<2048x128xf32>
    %get3A_13 = arith.constant 0 : index
    %get3A_14 = vector.load %arg3[%get3A_13] : memref<2048xf32, #tpu.memory_space<vmem>>, vector<2048xf32>
    %broadcast_in_dim3A = vector.shape_cast %get3A_14 : vector<2048xf32> to vector<2048x1xf32>
    %mul3A = vector.broadcast %broadcast_in_dim3A : vector<2048x1xf32> to vector<2048x128xf32>
    %mul3A_15 = arith.mulf %add3A_12, %mul3A : vector<2048x128xf32>
    %get3A_16 = arith.constant 0 : index
    %get3A_17 = vector.load %arg4[%get3A_16] : memref<128xf32, #tpu.memory_space<vmem>>, vector<128xf32>
    %broadcast_in_dim3A_18 = vector.shape_cast %get3A_17 : vector<128xf32> to vector<1x128xf32>
    %add3A_19 = vector.broadcast %broadcast_in_dim3A_18 : vector<1x128xf32> to vector<2048x128xf32>
    %add3A_20 = arith.addf %mul3A_15, %add3A_19 : vector<2048x128xf32>
    %reduce_max3A = arith.constant dense<0xFF800000> : vector<2048xf32>
    %reduce_max3A_21 = vector.multi_reduction <maximumf>, %add3A_20, %reduce_max3A [1] : vector<2048x128xf32> to vector<2048xf32>
    %broadcast_in_dim3A_22 = vector.shape_cast %reduce_max3A_21 : vector<2048xf32> to vector<2048x1xf32>
    %sub3A = vector.broadcast %broadcast_in_dim3A_22 : vector<2048x1xf32> to vector<2048x128xf32>
    %sub3A_23 = arith.subf %add3A_20, %sub3A : vector<2048x128xf32>
    %exp3A = math.exp %sub3A_23 : vector<2048x128xf32>
    %reduce_sum3A = arith.constant dense<0.000000e+00> : vector<2048xf32>
    %reduce_sum3A_24 = vector.multi_reduction <add>, %exp3A, %reduce_sum3A [1] : vector<2048x128xf32> to vector<2048xf32>
    %broadcast_in_dim3A_25 = vector.shape_cast %reduce_sum3A_24 : vector<2048xf32> to vector<2048x1xf32>
    %div3A = vector.broadcast %broadcast_in_dim3A_25 : vector<2048x1xf32> to vector<2048x128xf32>
    %div3A_26 = arith.divf %exp3A, %div3A : vector<2048x128xf32>
    %swap3A = arith.constant 0 : index
    %swap3A_27 = arith.constant 0 : index
    %swap3A_28 = vector.load %arg5[%swap3A, %swap3A_27] : memref<2048x128xf32, #tpu.memory_space<vmem>>, vector<2048x128xf32>
    tpu.vector_store %arg5[%swap3A, %swap3A_27], %div3A_26 {strides = array<i32>} : memref<2048x128xf32, #tpu.memory_space<vmem>>, vector<2048x128xf32>,
    return
  }
  func.func @transform_0(%arg0: i32) -> (i32, i32, i32) {
    %c0_i32 = arith.constant 0 : i32
    %c0_i32_0 = arith.constant 0 : i32
    %c0_i32_1 = arith.constant 0 : i32
    return %c0_i32, %arg0, %c0_i32_0 : i32, i32, i32
  }
  func.func @transform_1(%arg0: i32) -> (i32, i32) {
    %c0_i32 = arith.constant 0 : i32
    %c0_i32_0 = arith.constant 0 : i32
    return %arg0, %c0_i32 : i32, i32
  }
  func.func @transform_2(%arg0: i32) -> i32 {
    %c0_i32 = arith.constant 0 : i32
    return %arg0 : i32
  }
  func.func @transform_3(%arg0: i32) -> i32 {
    %c0_i32 = arith.constant 0 : i32
    %c0_i32_0 = arith.constant 0 : i32
    return %c0_i32 : i32
  }
  func.func @transform_4(%arg0: i32) -> (i32, i32) {
    %c0_i32 = arith.constant 0 : i32
    %c0_i32_0 = arith.constant 0 : i32
    return %arg0, %c0_i32 : i32, i32
  }
}

</mosaic_0001>

<sc_bundles>
// kernel: kernel.11.cloned.1.call-start
scs
__scs_entry_jumppad:
0x0: {  	(pc) =	sbr.rel $0x88, $3  }
0x1: {  	(tag) =	ssettag $0x0;
	lr =	simm.s32 $0x1  }
0x2: {  	[smem:$0x3F9B] =	sst lr;
	_ =	strace $0xD0000000  }
0x3: {  	_ = 	snop  }
0x4: {  	_ = 	snop  }
0x5: {  	_ = 	snop  }
0x6: {  	_ = 	snop  }
0x7: {  	_ = 	snop  }
__scs_overlays_trampoline_lowered:
0x8: {  	[smem:$0x3FAA] =	sst s0  }
0x9: {  	[smem:$0x3FAB] =	sst s1  }
0xa: {  	[smem:$0x3FAC] =	sst s2  }
0xb: {  	[smem:$0x3FAD] =	sst s3  }
0xc: {  	[smem:$0x3FAE] =	sst s4  }
0xd: {  	[smem:$0x3FAF] =	sst s5  }
0xe: {  	[smem:$0x3FB0] =	sst s6  }
0xf: {  	[smem:$0x3FB1] =	sst s7  }
0x10: {  	[smem:$0x3FB2] =	sst s8  }
0x11: {  	[smem:$0x3FB3] =	sst s9;
	s0 =	simm.s32 @!p0 $0x0  }
0x12: {  	s1 =	sld [smem:$0x3F99];
	s0 =	simm.s32 @p0 $0x1  }
0x13: {  	[smem:$0x3FB4] =	sst s0;
	s0 =	simm.s32 @!p1 $0x0  }
0x14: {  	s2 =	sld [smem:$0x3F98];
	s0 =	simm.s32 @p1 $0x1  }
0x15: {  	[smem:$0x3FB5] =	sst s0;
	s0 =	simm.s32 @!p2 $0x0  }
0x16: {  	s3 =	sld [smem:$0x3FDB];
	s0 =	simm.s32 @p2 $0x1  }
0x17: {  	s4 =	simm.s32 $0x1BF5;
	[smem:$0x3FB7] =	sst s0  }
0x18: {  	s0 =	sld [smem:$0x3F9A];
	_ =	swait.ge [sflag:s4], $0x0  }
0x19: {  	s7 =	sld [smem:$0x3F9B]  }
0x1a: {  	s8 =	sadd.s32 $0xFFFFE003, lr  }
0x1b: {  	s9 =	sadd.s32 $0xFFFFFEF7, lr;
	s5 =	simm.s32 $0xFFFFFFFF;
	p2 =	slt.u32 s8, $0xFFFFF086  }
0x1c: {  	p1 =	slt.u32 s9, $0xF7A;
	s5 =	simm.s32 @!p2 $0x0  }
0x1d: {  	s5 =	simm.s32 @p1 $0x1;
	p0 =	seq.s32 s7, s2  }
0x1e: {  	s7 =	smul.u32 @!p0 $0xF7A, s2;
	p2 =	seq.s32 @!p0 s5, $0x0  }
0x1f: {  	s9 =	smul.u32 $0xF7A, s1;
	s8 =	simm.s32 @!p0 $0x1BF5;
	p2 =	por !p2, p0  }
0x20: {  	[sflag:s8] =	ssyncset.s32 @!p0 $0xFFFFF086;
	s6 =	sadd.s32 @!p0 s3, s7;
	s7 =	simm.s32 @!p0 $0x108  }
0x21: {  	s3 =	sadd.s32 s3, s9;
	s6 =	sadd.s32 @!p0 $0x88, s6;
	s7 =	simm.s32 @p2 $0x1082  }
0x22: {  	[simem:s7], [sflag:s8] =	dma.local @!p0 [hbm:s6], $0xF7A  }
0x23: {  	s9 =	sor.u32 $0xD0000000, s2;
	s6 =	simm.s32 $0x108;
	_ =	swait.ge @!p0 [sflag:s8], $0x0  }
0x24: {  	s3 =	sadd.s32 $0x88, s3;
	s6 =	simm.s32 @!p1 $0x1082;
	[sflag:s4] =	ssyncset.s32 $0xFFFFF086  }
0x25: {  	[simem:s6], [sflag:s4] =	dma.local [hbm:s3], $0xF7A  }
0x26: {  	[smem:$0x3F9B] =	sst s1;
	(tag) =	ssettag s2;
	_ =	strace s9  }
0x27: {  	s1 =	sld [smem:$0x3FAB]  }
0x28: {  	s2 =	sld [smem:$0x3FAC]  }
0x29: {  	s4 =	sld [smem:$0x3FAE]  }
0x2a: {  	p0 =	seq.s32 s5, $0x0;
	s5 =	sld [smem:$0x3FAF]  }
0x2b: {  	s6 =	sld [smem:$0x3FB0]  }
0x2c: {  	s7 =	sld [smem:$0x3FB1]  }
0x2d: {  	s3 =	simm.s32 $0x108;
	s8 =	sld [smem:$0x3FB2]  }
0x2e: {  	s3 =	simm.s32 @!p0 $0x1082;
	s9 =	sld [smem:$0x3FB3]  }
0x2f: {  	lr =	sadd.s32 s0, s3;
	s0 =	sld [smem:$0x3FAA]  }
0x30: {  	s3 =	sld [smem:$0x3FAD]  }
0x31: {  	[smem:$0x3FB6] =	sst s10  }
0x32: {  	s10 =	sld [smem:$0x3FB4];
	_ =	sdelay $0x3  }
0x33: {  	p0 =	seq.s32 s10, $0x1;
	s10 =	sld [smem:$0x3FB6];
	_ =	sdelay $0x3  }
0x34: {  	[smem:$0x3FB6] =	sst s10  }
0x35: {  	s10 =	sld [smem:$0x3FB5];
	_ =	sdelay $0x3  }
0x36: {  	p1 =	seq.s32 s10, $0x1;
	s10 =	sld [smem:$0x3FB6];
	_ =	sdelay $0x3  }
0x37: {  	[smem:$0x3FB6] =	sst s10  }
0x38: {  	s10 =	sld [smem:$0x3FB7]  }
0x39: {  	_ = 	snop;
	(pc) =	sbr.ind lr, $3  }
0x3a: {  	_ = 	snop  }
0x3b: {  	_ = 	snop  }
0x3c: {  	p2 =	seq.s32 s10, $0x1;
	s10 =	sld [smem:$0x3FB6]  }
0x3d: {  	_ =	shalt  }
0x3e: {  	_ =	shalt  }
0x3f: {  	_ =	shalt  }
0x40: {  	_ =	shalt  }
0x41: {  	_ =	shalt  }
0x42: {  	_ =	shalt  }
0x43: {  	_ =	shalt  }
0x44: {  	_ =	shalt  }
0x45: {  	_ =	shalt  }
0x46: {  	_ =	shalt  }
0x47: {  	_ =	shalt  }
0x48: {  	_ =	shalt  }
0x49: {  	_ =	shalt  }
0x4a: {  	_ =	shalt  }
0x4b: {  	_ =	shalt  }
0x4c: {  	_ =	shalt  }
0x4d: {  	_ =	shalt  }
0x4e: {  	_ =	shalt  }
0x4f: {  	_ =	shalt  }
0x50: {  	_ =	shalt  }
0x51: {  	_ =	shalt  }
0x52: {  	_ =	shalt  }
0x53: {  	_ =	shalt  }
0x54: {  	_ =	shalt  }
0x55: {  	_ =	shalt  }
0x56: {  	_ =	shalt  }
0x57: {  	_ =	shalt  }
0x58: {  	_ =	shalt  }
0x59: {  	_ =	shalt  }
0x5a: {  	_ =	shalt  }
0x5b: {  	_ =	shalt  }
0x5c: {  	_ =	shalt  }
0x5d: {  	_ =	shalt  }
0x5e: {  	_ =	shalt  }
0x5f: {  	_ =	shalt  }
0x60: {  	_ =	shalt  }
0x61: {  	_ =	shalt  }
0x62: {  	_ =	shalt  }
0x63: {  	_ =	shalt  }
0x64: {  	_ =	shalt  }
0x65: {  	_ =	shalt  }
0x66: {  	_ =	shalt  }
0x67: {  	_ =	shalt  }
0x68: {  	_ =	shalt  }
0x69: {  	_ =	shalt  }
0x6a: {  	_ =	shalt  }
0x6b: {  	_ =	shalt  }
0x6c: {  	_ =	shalt  }
0x6d: {  	_ =	shalt  }
0x6e: {  	_ =	shalt  }
0x6f: {  	_ =	shalt  }
0x70: {  	_ =	shalt  }
0x71: {  	_ =	shalt  }
0x72: {  	_ =	shalt  }
0x73: {  	_ =	shalt  }
0x74: {  	_ =	shalt  }
0x75: {  	_ =	shalt  }
0x76: {  	_ =	shalt  }
0x77: {  	_ =	shalt  }
0x78: {  	_ =	shalt  }
0x79: {  	_ =	shalt  }
0x7a: {  	_ =	shalt  }
0x7b: {  	_ =	shalt  }
0x7c: {  	_ =	shalt  }
0x7d: {  	_ =	shalt  }
0x7e: {  	_ =	shalt  }
0x7f: {  	_ =	shalt  }
0x80: {  	_ =	shalt  }
0x81: {  	_ =	shalt  }
0x82: {  	_ =	shalt  }
0x83: {  	_ =	shalt  }
0x84: {  	_ =	shalt  }
0x85: {  	_ =	shalt  }
0x86: {  	_ =	shalt  }
0x87: {  	_ =	shalt  }
.Lfunc_end0:
.L_simem_size_0:
called_computation.1_lowered:
.L_overlay_start_0:
0x88: {  	s2 =	sld [smem:$0x3FD9]  }
0x89: {  	s3 =	sld [smem:$0x3FFE];
	_ =	sdelay $0x1  }
0x8a: {  	s1 =	srdreg.scid  }
0x8b: {  	s0 =	sand.u32 $0x1, s1  }
0x8c: {  	s17 =	sshll.u32 s0, $0xA;
	s2 =	sadd.s32 s3, s2  }
0x8d: {  	s2 =	sadd.s32 s2, s17  }
0x8e: {  	[smem:$0x3FC2] =	sst s2  }
0x8f: {  	_ = 	snop  }
0x90: {  	s2 =	sld [smem:$0x3FD0];
	(tm) =	ssettm $0x1  }
0x91: {  	s18 =	sld [smem:$0x3FFB];
	_ =	sdelay $0x3  }
0x92: {  	_ =	strace s18  }
0x93: {  	s3 =	sld [smem:$0x3FFC];
	_ =	sdelay $0x3  }
0x94: {  	_ =	strace s3  }
0x95: {  	s3 =	sld [smem:$0x3FFD];
	_ =	sdelay $0x3  }
0x96: {  	_ =	strace s3  }
0x97: {  	_ =	strace $0x8FFFFFFF  }
0x98: {  	s19 =	sld [smem:$0x3FDB];
	_ =	sdelay $0x1  }
0x99: {  	s4 =	simm.s32 $_scs_section_size  }
0x9a: {  	s5 =	simm.s32 $_size__tile_overlayer_lowered;
	s6 =	simm.s32 $_tile_overlayer_lowered  }
0x9b: {  	s22 =	simm.s32 $0x1BFF;
	s21 =	sshll.u32 s6, $0x1;
	s3 =	sadd.s32 s4, s19  }
0x9c: {  	s7 =	simm.s32 $0x0;
	s20 =	sshll.u32 s5, $0x1;
	s5 =	sadd.s32 s21, s3  }
0x9d: {  	[timem:s7], [sflag:s22] =	dma.local [hbm:s5], s20  }
0x9e: {  	_ =	swait.ge [sflag:s22], s20  }
0x9f: {  	s4 =	ssub.s32 $0x0, s20;
	[sflag:s22] =	ssyncset.done $0x0  }
0xa0: {  	[sflag:s22] =	ssyncadd.s32 s4;
	_ =	sdelay $0x1  }
0xa1: {  	s23 =	simm.s32 $0x1B8B  }
0xa2: {  	_ =	swait.ge [sflag:s23], $0x1  }
0xa3: {  	[sflag:s23] =	ssyncset.done $0x0  }
0xa4: {  	s25 =	simm.s32 $0x1B8E;
	s24 =	sld [smem:$0x3FFE];
	[sflag:s23] =	ssyncadd.s32 $0xFFFFFFFF  }
0xa5: {  	s26 =	simm.s32 $execute0_lowered;
	[smem:$0x3FD2] =	sst s25  }
0xa6: {  	s5 =	sshll.u32 s26, $0x1;
	_ =	strace $0x80000049;
	[dreg:$0x1] =	wrdreg $0xFFFFFFFF  }
0xa7: {  	s28 =	simm.s32 $_size_execute0_lowered;
	s3 =	sadd.s32 s3, s5;
	[dreg:$0x0] =	wrdreg $0x0  }
0xa8: {  	s5 =	sshll.u32 s28, $0x1;
	[dreg:$0x2] =	wrdreg s3  }
0xa9: {  	[dreg:$0x3] =	wrdreg s5  }
0xaa: {  	[dreg:$0x4] =	wrdreg $0xC0  }
0xab: {  	_ =	task [dreg:s7], $0x5FFFF  }
0xac: {  	[dreg:$0x1] =	wrdreg $0xFFFFFFFF  }
0xad: {  	[dreg:$0x0] =	wrdreg $0x60  }
0xae: {  	[dreg:$0x2] =	wrdreg s2  }
0xaf: {  	[dreg:$0x3] =	wrdreg s24  }
0xb0: {  	[dreg:$0x4] =	wrdreg $0xA9000  }
0xb1: {  	[dreg:$0x5] =	wrdreg $0x9  }
0xb2: {  	_ =	task.clear_ibuf [dreg:s7], $0x6FFFF;
	_ =	strace $0x90000049  }
0xb3: {  	s29 =	simm.s32 $0x9;
	_ =	strace $0x8000004B  }
0xb4: {  	_ =	swait.ge [sflag:s29], $0x1  }
0xb5: {  	[sflag:s29] =	ssyncadd.s32 $0xFFFFFFFF  }
0xb6: {  	_ =	strace $0x9000004B  }
0xb7: {  	_ =	sfence  }
0xb8: {  	s30 =	sld [smem:$0x0];
	_ =	sdelay $0x2  }
0xb9: {  	s31 =	sshll.u32 s1, $0xD;
	s1 =	sshrl.u32 s1, $0x2  }
0xba: {  	s3 =	sand.u32 $0x4000, s31;
	s1 =	sadd.s32 s1, s30  }
0xbb: {  	s0 =	sor.u32 s3, s0;
	s1 =	sshll.u32 s1, $0x11  }
0xbc: {  	s0 =	sor.u32 s1, s0  }
0xbd: {  	s0 =	sadd.s32 $0x8F2B, s0  }
0xbe: {  	[sflag:s0] =	ssyncadd.remote.s32 $0x1  }
0xbf: {  	_ =	sfence.sel $0xFFFF  }
0xc0: {  	[dreg:$0x0] =	wrdreg $0xFFFFFFFF;
	(pc) =	sbr.abs _section_cstart, $3  }
0xc1: {  	[dreg:$0x1] =	wrdreg $0xFFFFFFFF  }
0xc2: {  	_ =	task.clear_ibuf [dreg:s7], $0x2FFFF;
	_ =	strace $0x9FFFFFFF  }
0xc3: {  	(tm) =	ssettm $0x7FFFFFFF  }
tec
execute0_lowered:
.L_overlay_start_1:
0x0: {  	(tag) =	ssettag $0x1  }
0x1: {  	s1 =	rddreg [dreg:$0x0]  }
0x2: {  	s0 =	srdreg.scid;
	s8 =	rddreg [dreg:$0x1]  }
0x3: {  	s25 =	stileid.u32;
	s3 =	rddreg [dreg:$0x2];
	s5 =	simm.s32 $0x0  }
0x4: {  	s17 =	simm.s32 $0x2900;
	s18 =	simm.s32 $0x2880;
	s19 =	simm.s32 $0x2  }
0x5: {  	s20 =	simm.s32 $0x80;
	s21 =	simm.s32 $0x6900;
	s22 =	simm.s32 $0x3  }
0x6: {  	s23 =	simm.s32 $0x4;
	s24 =	simm.s32 $0x1;
	s28 =	simm.s32 $0x0  }
0x7: {  	s7 =	sand.u32 $0x1, s0;
	[smem:$0x7FF] =	sst s5;
	s10 =	smul.u32 $0x14000, s25  }
0x8: {  	s6 =	sadd.s32 $0xCC00, s8;
	s13 =	smul.u32 $0x50000, s25;
	s31 =	sshll.u32 s25, $0x6  }
0x9: {  	s2 =	sshll.u32 s7, $0x4;
	s9 =	smul.u32 $0x140000, s7;
	_ =	strace $0x8000004A  }
0xa: {  	s26 =	ssub.s32 $0x2, s7;
	s7 =	sadd.s32 $0x34C00, s8;
	s2 =	sor.u32 s25, s2  }
0xb: {  	s29 =	sshrl.u32 s26, $0x1;
	s30 =	sshrl.u32 s13, $0x2;
	s25 =	simm.s32 $0x2700  }
0xc: {  	s4 =	smul.u32 $0x2800, s2;
	s9 =	sadd.s32 s10, s9;
	s15 =	ssub.s32 s26, s29  }
0xd: {  	s16 =	sadd.s32 s30, s3;
	s26 =	simm.s32 $0x2780;
	s9 =	sshrl.u32 s9, $0x3  }
0xe: {  	s13 =	smax.u32 s15, $0x1;
	s15 =	simm.s32 $0x5;
	s11 =	sshrl.u32 s4, $0x3  }
0xf: {  	s14 =	sadd.s32 s9, s8;
	s12 =	sadd.s32 s11, s8;
	s9 =	sadd.s32 s1, s11  }
0x10: {  	s8 =	sor.u32 $0x1C05, s31;
	s10 =	sadd.s32 $0x2C00, s12;
	s11 =	sadd.s32 $0x10, s9  }
0x11: {  	s12 =	sadd.s32 $0x37400, s14;
	s14 =	sshrl.u32 s16, $0x3;
	s16 =	simm.s32 $0x2800  }
.LBB2_1:
0x12: {  	[spmem:s14], [sflag:s8] =	dma.local [hbm:s7], $0x2800  }
0x13: {  	_ =	swait.ge [sflag:s15], $0x2800  }
0x14: {  	[sflag:s15] =	ssyncset.done $0x0  }
0x15: {  	[sflag:s15] =	ssyncadd.s32 $0xFFFFD800  }
0x16: {  	[tilespmem:s5], [sflag:$0x5] =	stream.linear.gather [hbm4b:s10+s5], $0x2800, $0x38;
	[tilespmem:$0x1E900] =	vst v63  }
0x17: {  	_ =	swait.ge [sflag:s15], $0x2800  }
0x18: {  	[sflag:s15] =	ssyncset.done $0x0  }
0x19: {  	[sflag:s15] =	ssyncadd.s32 $0xFFFFD800  }
0x1a: {  	[tilespmem:s16], [sflag:$0x5] =	stream.linear.gather [hbm4b:s9+s5], $0x80, $0x38;
	[tilespmem:$0x1E900] =	vst v63  }
0x1b: {  	_ =	swait.ge [sflag:s15], $0x80  }
0x1c: {  	[sflag:s15] =	ssyncset.done $0x0  }
0x1d: {  	[sflag:s15] =	ssyncadd.s32 $0xFFFFFF80  }
0x1e: {  	[bflag:$0x0] =	sbarrier.arrive $0xFFFF  }
0x1f: {  	[tilespmem:s17], [sflag:$0x3] =	stream.indirect.gather [hbm4b:s6+s20], $0x80, s16, s20, $0xb8;
	[tilespmem:$0x1E900] =	vst v63  }
0x20: {  	_ = 	snop  }
0x21: {  	[tilespmem:s18], [sflag:$0x2] =	stream.linear.gather [hbm4b:s11+s5], $0x80, $0x38;
	[tilespmem:$0x1E900] =	vst v63  }
0x22: {  	s29 =	simm.s32 $0x100;
	_ =	swait.ge [sflag:s19], $0x80  }
0x23: {  	s30 =	sand.u32 $0x7C00, s29;
	[sflag:s19] =	ssyncset.done $0x0  }
0x24: {  	s29 =	sand.u32 $0x300, s29;
	s30 =	sadd.s32 s4, s30;
	[sflag:s19] =	ssyncadd.s32 $0xFFFFFF80  }
0x25: {  	[tilespmem:s21], [sflag:$0x4] =	stream.indirect.gather [hbm4b:s6+s20], $0x80, s18, s20, $0xb8;
	[tilespmem:$0x1E900] =	vst v63  }
0x26: {  	s29 =	sor.u32 s29, s30;
	_ =	swait.ge [sflag:s22], $0x4000  }
0x27: {  	s29 =	sshrl.u32 s29, $0x3;
	[sflag:s22] =	ssyncset.done $0x0  }
0x28: {  	s29 =	sadd.s32 s1, s29;
	[sflag:s22] =	ssyncadd.s32 $0xFFFFC000  }
0x29: {  	[tilespmem:s16], [sflag:$0x1] =	stream.linear.gather [hbm4b:s29+s5], $0x80, $0x38;
	[tilespmem:$0x1E900] =	vst v63  }
0x2a: {  	s29 =	simm.s32 $0x0  }
0x2b: {  	[spmem:s3] =	stream.indirect.scatter.add.f32 [tilespmem:s17], [sflag:$0x5], $0x80, s29, s20, $0xb8;
	[tilespmem:$0x1E900] =	vst v63  }
0x2c: {  	_ =	swait.ge [sflag:s15], $0x4000  }
0x2d: {  	[sflag:s15] =	ssyncset.done $0x0  }
0x2e: {  	[sflag:s15] =	ssyncadd.s32 $0xFFFFC000  }
0x2f: {  	_ =	swait.ge [sflag:s23], $0x4000  }
0x30: {  	s29 =	simm.s32 $0x180;
	[sflag:s23] =	ssyncset.done $0x0  }
0x31: {  	s30 =	sand.u32 $0x7C00, s29;
	[sflag:s23] =	ssyncadd.s32 $0xFFFFC000  }
0x32: {  	s29 =	sand.u32 $0x380, s29;
	s30 =	sadd.s32 s4, s30;
	_ =	swait.ge [sflag:s24], $0x80  }
0x33: {  	s29 =	sor.u32 s29, s30;
	[sflag:s24] =	ssyncset.done $0x0  }
0x34: {  	s29 =	sshrl.u32 s29, $0x3;
	[sflag:s24] =	ssyncadd.s32 $0xFFFFFF80  }
0x35: {  	[tilespmem:s17], [sflag:$0x3] =	stream.indirect.gather [hbm4b:s6+s20], $0x80, s16, s20, $0xb8;
	[tilespmem:$0x1E900] =	vst v63  }
0x36: {  	s29 =	sadd.s32 s1, s29  }
0x37: {  	[tilespmem:s18], [sflag:$0x2] =	stream.linear.gather [hbm4b:s29+s5], $0x80, $0x38;
	[tilespmem:$0x1E900] =	vst v63  }
0x38: {  	_ = 	snop  }
0x39: {  	[spmem:s3] =	stream.indirect.scatter.add.f32 [tilespmem:s21], [sflag:$0x5], $0x80, s20, s20, $0xb8;
	[tilespmem:$0x1E900] =	vst v63  }
0x3a: {  	s30 =	simm.s32 $0x80;
	s29 =	simm.s32 $0x280;
	_ =	swait.ge [sflag:s15], $0x4000  }
.LBB2_2:
0x3b: {  	p0 =	sne.s32 s29, $0x2780;
	[sflag:s15] =	ssyncset.done $0x0;
	s30 =	sadd.s32 $0x100, s30  }
0x3c: {  	s31 =	smov.u32 s29;
	s29 =	sadd.s32 $0x100, s29;
	[sflag:s15] =	ssyncadd.s32 $0xFFFFC000  }
0x3d: {  	_ =	swait.ge [sflag:s19], $0x80  }
0x3e: {  	s2 =	sadd.s32 $0xFFFFFF80, s31;
	[sflag:s19] =	ssyncset.done $0x0  }
0x3f: {  	s0 =	sand.u32 $0x7C00, s2;
	s2 =	sand.u32 $0x300, s2;
	[sflag:s19] =	ssyncadd.s32 $0xFFFFFF80  }
0x40: {  	[tilespmem:s21], [sflag:$0x4] =	stream.indirect.gather [hbm4b:s6+s20], $0x80, s18, s20, $0xb8;
	[tilespmem:$0x1E900] =	vst v63  }
0x41: {  	s0 =	sadd.s32 s4, s0;
	_ =	swait.ge [sflag:s22], $0x4000  }
0x42: {  	s0 =	sor.u32 s2, s0;
	[sflag:s22] =	ssyncset.done $0x0  }
0x43: {  	s0 =	sshrl.u32 s0, $0x3;
	[sflag:s22] =	ssyncadd.s32 $0xFFFFC000  }
0x44: {  	s2 =	sadd.s32 $0xFFFFFF80, s30;
	s0 =	sadd.s32 s1, s0  }
0x45: {  	[tilespmem:s16], [sflag:$0x1] =	stream.linear.gather [hbm4b:s0+s5], $0x80, $0x38;
	[tilespmem:$0x1E900] =	vst v63  }
0x46: {  	_ = 	snop  }
0x47: {  	[spmem:s3] =	stream.indirect.scatter.add.f32 [tilespmem:s17], [sflag:$0x5], $0x80, s2, s20, $0xb8;
	[tilespmem:$0x1E900] =	vst v63  }
0x48: {  	_ =	swait.ge [sflag:s15], $0x4000  }
0x49: {  	[sflag:s15] =	ssyncset.done $0x0  }
0x4a: {  	[sflag:s15] =	ssyncadd.s32 $0xFFFFC000  }
0x4b: {  	_ =	swait.ge [sflag:s23], $0x4000  }
0x4c: {  	[sflag:s23] =	ssyncset.done $0x0  }
0x4d: {  	s0 =	sand.u32 $0x7C00, s31;
	[sflag:s23] =	ssyncadd.s32 $0xFFFFC000  }
0x4e: {  	s0 =	sadd.s32 s4, s0;
	s2 =	sand.u32 $0x380, s31;
	_ =	swait.ge [sflag:s24], $0x80  }
0x4f: {  	s0 =	sor.u32 s2, s0;
	[sflag:s24] =	ssyncset.done $0x0  }
0x50: {  	s0 =	sshrl.u32 s0, $0x3;
	[sflag:s24] =	ssyncadd.s32 $0xFFFFFF80  }
0x51: {  	[tilespmem:s17], [sflag:$0x3] =	stream.indirect.gather [hbm4b:s6+s20], $0x80, s16, s20, $0xb8;
	[tilespmem:$0x1E900] =	vst v63  }
.Ltmp0:
0x52: {  	s0 =	sadd.s32 s1, s0;
	(pc) =	sbr.rel @p0 .LBB2_2-.Ltmp0, $4  }
0x53: {  	[tilespmem:s18], [sflag:$0x2] =	stream.linear.gather [hbm4b:s0+s5], $0x80, $0x38;
	[tilespmem:$0x1E900] =	vst v63  }
0x54: {  	_ = 	snop  }
0x55: {  	[spmem:s3] =	stream.indirect.scatter.add.f32 [tilespmem:s21], [sflag:$0x5], $0x80, s30, s20, $0xb8;
	[tilespmem:$0x1E900] =	vst v63  }
0x56: {  	_ =	swait.ge [sflag:s15], $0x4000  }
0x57: {  	[sflag:s15] =	ssyncset.done $0x0  }
0x58: {  	[sflag:s15] =	ssyncadd.s32 $0xFFFFC000  }
0x59: {  	_ =	swait.ge [sflag:s19], $0x80  }
0x5a: {  	[sflag:s19] =	ssyncset.done $0x0  }
0x5b: {  	[sflag:s19] =	ssyncadd.s32 $0xFFFFFF80  }
0x5c: {  	[tilespmem:s21], [sflag:$0x4] =	stream.indirect.gather [hbm4b:s6+s20], $0x80, s18, s20, $0xb8;
	[tilespmem:$0x1E900] =	vst v63  }
0x5d: {  	_ =	swait.ge [sflag:s22], $0x4000  }
0x5e: {  	[sflag:s22] =	ssyncset.done $0x0  }
0x5f: {  	[sflag:s22] =	ssyncadd.s32 $0xFFFFC000  }
0x60: {  	[spmem:s3] =	stream.indirect.scatter.add.f32 [tilespmem:s17], [sflag:$0x5], $0x80, s25, s20, $0xb8;
	[tilespmem:$0x1E900] =	vst v63  }
0x61: {  	_ =	swait.ge [sflag:s15], $0x4000  }
0x62: {  	[sflag:s15] =	ssyncset.done $0x0  }
0x63: {  	[sflag:s15] =	ssyncadd.s32 $0xFFFFC000  }
0x64: {  	_ =	swait.ge [sflag:s23], $0x4000  }
0x65: {  	[sflag:s23] =	ssyncset.done $0x0  }
0x66: {  	[sflag:s23] =	ssyncadd.s32 $0xFFFFC000  }
0x67: {  	[spmem:s3] =	stream.indirect.scatter.add.f32 [tilespmem:s21], [sflag:$0x5], $0x80, s26, s20, $0xb8;
	[tilespmem:$0x1E900] =	vst v63  }
0x68: {  	_ =	swait.ge [sflag:s15], $0x4000  }
0x69: {  	s28 =	sadd.s32 $0x1, s28;
	[sflag:s15] =	ssyncset.done $0x0  }
0x6a: {  	p0 =	sne.s32 s28, s13;
	[sflag:s15] =	ssyncadd.s32 $0xFFFFC000  }
.Ltmp1:
0x6b: {  	[bflag:$0x0] =	sbarrier.arrive $0xFFFF;
	(pc) =	sbr.rel @p0 .LBB2_1-.Ltmp1, $4  }
0x6c: {  	[hbm:s12], [sflag:s8] =	dma.local [spmem:s14], $0x2800  }
0x6d: {  	_ =	swait.ge [sflag:s15], $0x2800  }
0x6e: {  	[sflag:s15] =	ssyncset.done $0x0  }
0x6f: {  	[sflag:s15] =	ssyncadd.s32 $0xFFFFD800  }
0x70: {  	_ =	sfence.sel $0x180000  }
0x71: {  	[bflag:$0x0] =	sbarrier.arrive $0xFFFF  }
0x72: {  	_ =	strace $0x9000004A  }
0x73: {  	s0 =	stileid.u32;
	[bflag:$0x2] =	sbarrier.arrive $0xFFFF  }
0x74: {  	p0 =	sne.s32 s0, $0x0;
	s0 =	rddreg [dreg:$0x3]  }
0x75: {  	s0 =	sadd.s32 @!p0 $0x100000, s0  }
0x76: {  	[sflag:s0] =	ssyncadd.tile.s32 @!p0 $0x1;
	_ =	shalt  }
.Lfunc_end2:
_tile_overlayer_lowered:
.L_overlay_start_2:
0x77: {  	(tag) =	ssettag $0x2  }
0x78: {  	s0 =	rddreg [dreg:$0x0];
	s2 =	stileid.u32  }
0x79: {  	s1 =	rddreg [dreg:$0x1];
	p0 =	sne.s32 s2, $0x0  }
0x7a: {  	s3 =	rddreg [dreg:$0x2];
	[bflag:$0x3] =	sbarrier.arrive $0xFFFF;
	s2 =	simm.s32 @!p0 $0x1C05  }
0x7b: {  	[timem:s3], [sflag:s2] =	dma.local @!p0 [hbm:s0], s1  }
0x7c: {  	s0 =	simm.s32 @!p0 $0x5  }
0x7d: {  	_ =	swait.ge @!p0 [sflag:s0], s1  }
0x7e: {  	s1 =	ssub.s32 @!p0 $0x0, s1;
	[sflag:s0] =	ssyncset.done @!p0 $0x0  }
0x7f: {  	[sflag:s0] =	ssyncadd.s32 @!p0 s1  }
0x80: {  	[bflag:$0x3] =	sbarrier.arrive $0xFFFF  }
0x81: {  	_ =	shalt  }

// kernel: kernel.14.cloned.1.call-start
scs
__scs_entry_jumppad:
0x0: {  	(pc) =	sbr.rel $0x88, $3  }
0x1: {  	(tag) =	ssettag $0x0;
	lr =	simm.s32 $0x1  }
0x2: {  	[smem:$0x3F9B] =	sst lr;
	_ =	strace $0xD0000000  }
0x3: {  	_ = 	snop  }
0x4: {  	_ = 	snop  }
0x5: {  	_ = 	snop  }
0x6: {  	_ = 	snop  }
0x7: {  	_ = 	snop  }
__scs_overlays_trampoline_lowered:
0x8: {  	[smem:$0x3FAA] =	sst s0  }
0x9: {  	[smem:$0x3FAB] =	sst s1  }
0xa: {  	[smem:$0x3FAC] =	sst s2  }
0xb: {  	[smem:$0x3FAD] =	sst s3  }
0xc: {  	[smem:$0x3FAE] =	sst s4  }
0xd: {  	[smem:$0x3FAF] =	sst s5  }
0xe: {  	[smem:$0x3FB0] =	sst s6  }
0xf: {  	[smem:$0x3FB1] =	sst s7  }
0x10: {  	[smem:$0x3FB2] =	sst s8  }
0x11: {  	[smem:$0x3FB3] =	sst s9;
	s0 =	simm.s32 @!p0 $0x0  }
0x12: {  	s1 =	sld [smem:$0x3F99];
	s0 =	simm.s32 @p0 $0x1  }
0x13: {  	[smem:$0x3FB4] =	sst s0;
	s0 =	simm.s32 @!p1 $0x0  }
0x14: {  	s2 =	sld [smem:$0x3F98];
	s0 =	simm.s32 @p1 $0x1  }
0x15: {  	[smem:$0x3FB5] =	sst s0;
	s0 =	simm.s32 @!p2 $0x0  }
0x16: {  	s3 =	sld [smem:$0x3FDB];
	s0 =	simm.s32 @p2 $0x1  }
0x17: {  	s4 =	simm.s32 $0x1BF5;
	[smem:$0x3FB7] =	sst s0  }
0x18: {  	s0 =	sld [smem:$0x3F9A];
	_ =	swait.ge [sflag:s4], $0x0  }
0x19: {  	s7 =	sld [smem:$0x3F9B]  }
0x1a: {  	s8 =	sadd.s32 $0xFFFFE003, lr  }
0x1b: {  	s9 =	sadd.s32 $0xFFFFFEF7, lr;
	s5 =	simm.s32 $0xFFFFFFFF;
	p2 =	slt.u32 s8, $0xFFFFF086  }
0x1c: {  	p1 =	slt.u32 s9, $0xF7A;
	s5 =	simm.s32 @!p2 $0x0  }
0x1d: {  	s5 =	simm.s32 @p1 $0x1;
	p0 =	seq.s32 s7, s2  }
0x1e: {  	s7 =	smul.u32 @!p0 $0xF7A, s2;
	p2 =	seq.s32 @!p0 s5, $0x0  }
0x1f: {  	s9 =	smul.u32 $0xF7A, s1;
	s8 =	simm.s32 @!p0 $0x1BF5;
	p2 =	por !p2, p0  }
0x20: {  	[sflag:s8] =	ssyncset.s32 @!p0 $0xFFFFF086;
	s6 =	sadd.s32 @!p0 s3, s7;
	s7 =	simm.s32 @!p0 $0x108  }
0x21: {  	s3 =	sadd.s32 s3, s9;
	s6 =	sadd.s32 @!p0 $0x88, s6;
	s7 =	simm.s32 @p2 $0x1082  }
0x22: {  	[simem:s7], [sflag:s8] =	dma.local @!p0 [hbm:s6], $0xF7A  }
0x23: {  	s9 =	sor.u32 $0xD0000000, s2;
	s6 =	simm.s32 $0x108;
	_ =	swait.ge @!p0 [sflag:s8], $0x0  }
0x24: {  	s3 =	sadd.s32 $0x88, s3;
	s6 =	simm.s32 @!p1 $0x1082;
	[sflag:s4] =	ssyncset.s32 $0xFFFFF086  }
0x25: {  	[simem:s6], [sflag:s4] =	dma.local [hbm:s3], $0xF7A  }
0x26: {  	[smem:$0x3F9B] =	sst s1;
	(tag) =	ssettag s2;
	_ =	strace s9  }
0x27: {  	s1 =	sld [smem:$0x3FAB]  }
0x28: {  	s2 =	sld [smem:$0x3FAC]  }
0x29: {  	s4 =	sld [smem:$0x3FAE]  }
0x2a: {  	p0 =	seq.s32 s5, $0x0;
	s5 =	sld [smem:$0x3FAF]  }
0x2b: {  	s6 =	sld [smem:$0x3FB0]  }
0x2c: {  	s7 =	sld [smem:$0x3FB1]  }
0x2d: {  	s3 =	simm.s32 $0x108;
	s8 =	sld [smem:$0x3FB2]  }
0x2e: {  	s3 =	simm.s32 @!p0 $0x1082;
	s9 =	sld [smem:$0x3FB3]  }
0x2f: {  	lr =	sadd.s32 s0, s3;
	s0 =	sld [smem:$0x3FAA]  }
0x30: {  	s3 =	sld [smem:$0x3FAD]  }
0x31: {  	[smem:$0x3FB6] =	sst s10  }
0x32: {  	s10 =	sld [smem:$0x3FB4];
	_ =	sdelay $0x3  }
0x33: {  	p0 =	seq.s32 s10, $0x1;
	s10 =	sld [smem:$0x3FB6];
	_ =	sdelay $0x3  }
0x34: {  	[smem:$0x3FB6] =	sst s10  }
0x35: {  	s10 =	sld [smem:$0x3FB5];
	_ =	sdelay $0x3  }
0x36: {  	p1 =	seq.s32 s10, $0x1;
	s10 =	sld [smem:$0x3FB6];
	_ =	sdelay $0x3  }
0x37: {  	[smem:$0x3FB6] =	sst s10  }
0x38: {  	s10 =	sld [smem:$0x3FB7]  }
0x39: {  	_ = 	snop;
	(pc) =	sbr.ind lr, $3  }
0x3a: {  	_ = 	snop  }
0x3b: {  	_ = 	snop  }
0x3c: {  	p2 =	seq.s32 s10, $0x1;
	s10 =	sld [smem:$0x3FB6]  }
0x3d: {  	_ =	shalt  }
0x3e: {  	_ =	shalt  }
0x3f: {  	_ =	shalt  }
0x40: {  	_ =	shalt  }
0x41: {  	_ =	shalt  }
0x42: {  	_ =	shalt  }
0x43: {  	_ =	shalt  }
0x44: {  	_ =	shalt  }
0x45: {  	_ =	shalt  }
0x46: {  	_ =	shalt  }
0x47: {  	_ =	shalt  }
0x48: {  	_ =	shalt  }
0x49: {  	_ =	shalt  }
0x4a: {  	_ =	shalt  }
0x4b: {  	_ =	shalt  }
0x4c: {  	_ =	shalt  }
0x4d: {  	_ =	shalt  }
0x4e: {  	_ =	shalt  }
0x4f: {  	_ =	shalt  }
0x50: {  	_ =	shalt  }
0x51: {  	_ =	shalt  }
0x52: {  	_ =	shalt  }
0x53: {  	_ =	shalt  }
0x54: {  	_ =	shalt  }
0x55: {  	_ =	shalt  }
0x56: {  	_ =	shalt  }
0x57: {  	_ =	shalt  }
0x58: {  	_ =	shalt  }
0x59: {  	_ =	shalt  }
0x5a: {  	_ =	shalt  }
0x5b: {  	_ =	shalt  }
0x5c: {  	_ =	shalt  }
0x5d: {  	_ =	shalt  }
0x5e: {  	_ =	shalt  }
0x5f: {  	_ =	shalt  }
0x60: {  	_ =	shalt  }
0x61: {  	_ =	shalt  }
0x62: {  	_ =	shalt  }
0x63: {  	_ =	shalt  }
0x64: {  	_ =	shalt  }
0x65: {  	_ =	shalt  }
0x66: {  	_ =	shalt  }
0x67: {  	_ =	shalt  }
0x68: {  	_ =	shalt  }
0x69: {  	_ =	shalt  }
0x6a: {  	_ =	shalt  }
0x6b: {  	_ =	shalt  }
0x6c: {  	_ =	shalt  }
0x6d: {  	_ =	shalt  }
0x6e: {  	_ =	shalt  }
0x6f: {  	_ =	shalt  }
0x70: {  	_ =	shalt  }
0x71: {  	_ =	shalt  }
0x72: {  	_ =	shalt  }
0x73: {  	_ =	shalt  }
0x74: {  	_ =	shalt  }
0x75: {  	_ =	shalt  }
0x76: {  	_ =	shalt  }
0x77: {  	_ =	shalt  }
0x78: {  	_ =	shalt  }
0x79: {  	_ =	shalt  }
0x7a: {  	_ =	shalt  }
0x7b: {  	_ =	shalt  }
0x7c: {  	_ =	shalt  }
0x7d: {  	_ =	shalt  }
0x7e: {  	_ =	shalt  }
0x7f: {  	_ =	shalt  }
0x80: {  	_ =	shalt  }
0x81: {  	_ =	shalt  }
0x82: {  	_ =	shalt  }
0x83: {  	_ =	shalt  }
0x84: {  	_ =	shalt  }
0x85: {  	_ =	shalt  }
0x86: {  	_ =	shalt  }
0x87: {  	_ =	shalt  }
.Lfunc_end0:
.L_simem_size_0:
called_computation.2_lowered:
.L_overlay_start_0:
0x88: {  	s2 =	sld [smem:$0x3FD9]  }
0x89: {  	s3 =	sld [smem:$0x3FFE];
	_ =	sdelay $0x1  }
0x8a: {  	s1 =	srdreg.scid  }
0x8b: {  	s0 =	sand.u32 $0x1, s1  }
0x8c: {  	s17 =	sshll.u32 s0, $0xA;
	s2 =	sadd.s32 s3, s2  }
0x8d: {  	s2 =	sadd.s32 s2, s17  }
0x8e: {  	[smem:$0x3FC2] =	sst s2  }
0x8f: {  	_ = 	snop  }
0x90: {  	s2 =	sld [smem:$0x3FD0];
	(tm) =	ssettm $0x1  }
0x91: {  	s18 =	sld [smem:$0x3FFB];
	_ =	sdelay $0x3  }
0x92: {  	_ =	strace s18  }
0x93: {  	s3 =	sld [smem:$0x3FFC];
	_ =	sdelay $0x3  }
0x94: {  	_ =	strace s3  }
0x95: {  	s3 =	sld [smem:$0x3FFD];
	_ =	sdelay $0x3  }
0x96: {  	_ =	strace s3  }
0x97: {  	_ =	strace $0x8FFFFFFF  }
0x98: {  	s19 =	sld [smem:$0x3FDB];
	_ =	sdelay $0x1  }
0x99: {  	s4 =	simm.s32 $_scs_section_size  }
0x9a: {  	s5 =	simm.s32 $_size__tile_overlayer_lowered;
	s6 =	simm.s32 $_tile_overlayer_lowered  }
0x9b: {  	s22 =	simm.s32 $0x1BFF;
	s21 =	sshll.u32 s6, $0x1;
	s3 =	sadd.s32 s4, s19  }
0x9c: {  	s7 =	simm.s32 $0x0;
	s20 =	sshll.u32 s5, $0x1;
	s5 =	sadd.s32 s21, s3  }
0x9d: {  	[timem:s7], [sflag:s22] =	dma.local [hbm:s5], s20  }
0x9e: {  	_ =	swait.ge [sflag:s22], s20  }
0x9f: {  	s4 =	ssub.s32 $0x0, s20;
	[sflag:s22] =	ssyncset.done $0x0  }
0xa0: {  	[sflag:s22] =	ssyncadd.s32 s4;
	_ =	sdelay $0x1  }
0xa1: {  	s23 =	simm.s32 $0x1B8B  }
0xa2: {  	_ =	swait.ge [sflag:s23], $0x1  }
0xa3: {  	[sflag:s23] =	ssyncset.done $0x0  }
0xa4: {  	s25 =	simm.s32 $0x1B8E;
	s24 =	sld [smem:$0x3FFE];
	[sflag:s23] =	ssyncadd.s32 $0xFFFFFFFF  }
0xa5: {  	s26 =	simm.s32 $execute0_lowered;
	[smem:$0x3FD2] =	sst s25  }
0xa6: {  	s5 =	sshll.u32 s26, $0x1;
	_ =	strace $0x8000004C;
	[dreg:$0x1] =	wrdreg $0xFFFFFFFF  }
0xa7: {  	s28 =	simm.s32 $_size_execute0_lowered;
	s3 =	sadd.s32 s3, s5;
	[dreg:$0x0] =	wrdreg $0x0  }
0xa8: {  	s5 =	sshll.u32 s28, $0x1;
	[dreg:$0x2] =	wrdreg s3  }
0xa9: {  	[dreg:$0x3] =	wrdreg s5  }
0xaa: {  	[dreg:$0x4] =	wrdreg $0xC0  }
0xab: {  	_ =	task [dreg:s7], $0x5FFFF  }
0xac: {  	[dreg:$0x1] =	wrdreg $0xFFFFFFFF  }
0xad: {  	[dreg:$0x0] =	wrdreg $0x60  }
0xae: {  	[dreg:$0x2] =	wrdreg s2  }
0xaf: {  	[dreg:$0x3] =	wrdreg s24  }
0xb0: {  	[dreg:$0x4] =	wrdreg $0xA9000  }
0xb1: {  	[dreg:$0x5] =	wrdreg $0x9  }
0xb2: {  	_ =	task.clear_ibuf [dreg:s7], $0x6FFFF;
	_ =	strace $0x9000004C  }
0xb3: {  	s29 =	simm.s32 $0x9;
	_ =	strace $0x8000004E  }
0xb4: {  	_ =	swait.ge [sflag:s29], $0x1  }
0xb5: {  	[sflag:s29] =	ssyncadd.s32 $0xFFFFFFFF  }
0xb6: {  	_ =	strace $0x9000004E  }
0xb7: {  	_ =	sfence  }
0xb8: {  	s30 =	sld [smem:$0x0];
	_ =	sdelay $0x2  }
0xb9: {  	s31 =	sshll.u32 s1, $0xD;
	s1 =	sshrl.u32 s1, $0x2  }
0xba: {  	s3 =	sand.u32 $0x4000, s31;
	s1 =	sadd.s32 s1, s30  }
0xbb: {  	s0 =	sor.u32 s3, s0;
	s1 =	sshll.u32 s1, $0x11  }
0xbc: {  	s0 =	sor.u32 s1, s0  }
0xbd: {  	s0 =	sadd.s32 $0x8F2B, s0  }
0xbe: {  	[sflag:s0] =	ssyncadd.remote.s32 $0x1  }
0xbf: {  	_ =	sfence.sel $0xFFFF  }
0xc0: {  	[dreg:$0x0] =	wrdreg $0xFFFFFFFF;
	(pc) =	sbr.abs _section_cstart, $3  }
0xc1: {  	[dreg:$0x1] =	wrdreg $0xFFFFFFFF  }
0xc2: {  	_ =	task.clear_ibuf [dreg:s7], $0x2FFFF;
	_ =	strace $0x9FFFFFFF  }
0xc3: {  	(tm) =	ssettm $0x7FFFFFFF  }
tec
execute0_lowered:
.L_overlay_start_1:
0x0: {  	(tag) =	ssettag $0x1  }
0x1: {  	s1 =	rddreg [dreg:$0x0]  }
0x2: {  	s0 =	srdreg.scid;
	s8 =	rddreg [dreg:$0x1]  }
0x3: {  	s25 =	stileid.u32;
	s3 =	rddreg [dreg:$0x2];
	s5 =	simm.s32 $0x0  }
0x4: {  	s17 =	simm.s32 $0x2900;
	s18 =	simm.s32 $0x2880;
	s19 =	simm.s32 $0x2  }
0x5: {  	s20 =	simm.s32 $0x80;
	s21 =	simm.s32 $0x6900;
	s22 =	simm.s32 $0x3  }
0x6: {  	s23 =	simm.s32 $0x4;
	s24 =	simm.s32 $0x1;
	s28 =	simm.s32 $0x0  }
0x7: {  	s7 =	sand.u32 $0x1, s0;
	[smem:$0x7FF] =	sst s5;
	s10 =	smul.u32 $0x14000, s25  }
0x8: {  	s6 =	sadd.s32 $0xCC00, s8;
	s13 =	smul.u32 $0x50000, s25;
	s31 =	sshll.u32 s25, $0x6  }
0x9: {  	s2 =	sshll.u32 s7, $0x4;
	s9 =	smul.u32 $0x140000, s7;
	_ =	strace $0x8000004D  }
0xa: {  	s26 =	ssub.s32 $0x2, s7;
	s7 =	sadd.s32 $0x34C00, s8;
	s2 =	sor.u32 s25, s2  }
0xb: {  	s29 =	sshrl.u32 s26, $0x1;
	s30 =	sshrl.u32 s13, $0x2;
	s25 =	simm.s32 $0x2700  }
0xc: {  	s4 =	smul.u32 $0x2800, s2;
	s9 =	sadd.s32 s10, s9;
	s15 =	ssub.s32 s26, s29  }
0xd: {  	s16 =	sadd.s32 s30, s3;
	s26 =	simm.s32 $0x2780;
	s9 =	sshrl.u32 s9, $0x3  }
0xe: {  	s13 =	smax.u32 s15, $0x1;
	s15 =	simm.s32 $0x5;
	s11 =	sshrl.u32 s4, $0x3  }
0xf: {  	s14 =	sadd.s32 s9, s8;
	s12 =	sadd.s32 s11, s8;
	s9 =	sadd.s32 s1, s11  }
0x10: {  	s8 =	sor.u32 $0x1C05, s31;
	s10 =	sadd.s32 $0x2C00, s12;
	s11 =	sadd.s32 $0x10, s9  }
0x11: {  	s12 =	sadd.s32 $0x37400, s14;
	s14 =	sshrl.u32 s16, $0x3;
	s16 =	simm.s32 $0x2800  }
.LBB2_1:
0x12: {  	[spmem:s14], [sflag:s8] =	dma.local [hbm:s7], $0x2800  }
0x13: {  	_ =	swait.ge [sflag:s15], $0x2800  }
0x14: {  	[sflag:s15] =	ssyncset.done $0x0  }
0x15: {  	[sflag:s15] =	ssyncadd.s32 $0xFFFFD800  }
0x16: {  	[tilespmem:s5], [sflag:$0x5] =	stream.linear.gather [hbm4b:s10+s5], $0x2800, $0x38;
	[tilespmem:$0x1E900] =	vst v63  }
0x17: {  	_ =	swait.ge [sflag:s15], $0x2800  }
0x18: {  	[sflag:s15] =	ssyncset.done $0x0  }
0x19: {  	[sflag:s15] =	ssyncadd.s32 $0xFFFFD800  }
0x1a: {  	[tilespmem:s16], [sflag:$0x5] =	stream.linear.gather [hbm4b:s9+s5], $0x80, $0x38;
	[tilespmem:$0x1E900] =	vst v63  }
0x1b: {  	_ =	swait.ge [sflag:s15], $0x80  }
0x1c: {  	[sflag:s15] =	ssyncset.done $0x0  }
0x1d: {  	[sflag:s15] =	ssyncadd.s32 $0xFFFFFF80  }
0x1e: {  	[bflag:$0x0] =	sbarrier.arrive $0xFFFF  }
0x1f: {  	[tilespmem:s17], [sflag:$0x3] =	stream.indirect.gather [hbm4b:s6+s20], $0x80, s16, s20, $0xb8;
	[tilespmem:$0x1E900] =	vst v63  }
0x20: {  	_ = 	snop  }
0x21: {  	[tilespmem:s18], [sflag:$0x2] =	stream.linear.gather [hbm4b:s11+s5], $0x80, $0x38;
	[tilespmem:$0x1E900] =	vst v63  }
0x22: {  	s29 =	simm.s32 $0x100;
	_ =	swait.ge [sflag:s19], $0x80  }
0x23: {  	s30 =	sand.u32 $0x7C00, s29;
	[sflag:s19] =	ssyncset.done $0x0  }
0x24: {  	s29 =	sand.u32 $0x300, s29;
	s30 =	sadd.s32 s4, s30;
	[sflag:s19] =	ssyncadd.s32 $0xFFFFFF80  }
0x25: {  	[tilespmem:s21], [sflag:$0x4] =	stream.indirect.gather [hbm4b:s6+s20], $0x80, s18, s20, $0xb8;
	[tilespmem:$0x1E900] =	vst v63  }
0x26: {  	s29 =	sor.u32 s29, s30;
	_ =	swait.ge [sflag:s22], $0x4000  }
0x27: {  	s29 =	sshrl.u32 s29, $0x3;
	[sflag:s22] =	ssyncset.done $0x0  }
0x28: {  	s29 =	sadd.s32 s1, s29;
	[sflag:s22] =	ssyncadd.s32 $0xFFFFC000  }
0x29: {  	[tilespmem:s16], [sflag:$0x1] =	stream.linear.gather [hbm4b:s29+s5], $0x80, $0x38;
	[tilespmem:$0x1E900] =	vst v63  }
0x2a: {  	s29 =	simm.s32 $0x0  }
0x2b: {  	[spmem:s3] =	stream.indirect.scatter.add.f32 [tilespmem:s17], [sflag:$0x5], $0x80, s29, s20, $0xb8;
	[tilespmem:$0x1E900] =	vst v63  }
0x2c: {  	_ =	swait.ge [sflag:s15], $0x4000  }
0x2d: {  	[sflag:s15] =	ssyncset.done $0x0  }
0x2e: {  	[sflag:s15] =	ssyncadd.s32 $0xFFFFC000  }
0x2f: {  	_ =	swait.ge [sflag:s23], $0x4000  }
0x30: {  	s29 =	simm.s32 $0x180;
	[sflag:s23] =	ssyncset.done $0x0  }
0x31: {  	s30 =	sand.u32 $0x7C00, s29;
	[sflag:s23] =	ssyncadd.s32 $0xFFFFC000  }
0x32: {  	s29 =	sand.u32 $0x380, s29;
	s30 =	sadd.s32 s4, s30;
	_ =	swait.ge [sflag:s24], $0x80  }
0x33: {  	s29 =	sor.u32 s29, s30;
	[sflag:s24] =	ssyncset.done $0x0  }
0x34: {  	s29 =	sshrl.u32 s29, $0x3;
	[sflag:s24] =	ssyncadd.s32 $0xFFFFFF80  }
0x35: {  	[tilespmem:s17], [sflag:$0x3] =	stream.indirect.gather [hbm4b:s6+s20], $0x80, s16, s20, $0xb8;
	[tilespmem:$0x1E900] =	vst v63  }
0x36: {  	s29 =	sadd.s32 s1, s29  }
0x37: {  	[tilespmem:s18], [sflag:$0x2] =	stream.linear.gather [hbm4b:s29+s5], $0x80, $0x38;
	[tilespmem:$0x1E900] =	vst v63  }
0x38: {  	_ = 	snop  }
0x39: {  	[spmem:s3] =	stream.indirect.scatter.add.f32 [tilespmem:s21], [sflag:$0x5], $0x80, s20, s20, $0xb8;
	[tilespmem:$0x1E900] =	vst v63  }
0x3a: {  	s30 =	simm.s32 $0x80;
	s29 =	simm.s32 $0x280;
	_ =	swait.ge [sflag:s15], $0x4000  }
.LBB2_2:
0x3b: {  	p0 =	sne.s32 s29, $0x2780;
	[sflag:s15] =	ssyncset.done $0x0;
	s30 =	sadd.s32 $0x100, s30  }
0x3c: {  	s31 =	smov.u32 s29;
	s29 =	sadd.s32 $0x100, s29;
	[sflag:s15] =	ssyncadd.s32 $0xFFFFC000  }
0x3d: {  	_ =	swait.ge [sflag:s19], $0x80  }
0x3e: {  	s2 =	sadd.s32 $0xFFFFFF80, s31;
	[sflag:s19] =	ssyncset.done $0x0  }
0x3f: {  	s0 =	sand.u32 $0x7C00, s2;
	s2 =	sand.u32 $0x300, s2;
	[sflag:s19] =	ssyncadd.s32 $0xFFFFFF80  }
0x40: {  	[tilespmem:s21], [sflag:$0x4] =	stream.indirect.gather [hbm4b:s6+s20], $0x80, s18, s20, $0xb8;
	[tilespmem:$0x1E900] =	vst v63  }
0x41: {  	s0 =	sadd.s32 s4, s0;
	_ =	swait.ge [sflag:s22], $0x4000  }
0x42: {  	s0 =	sor.u32 s2, s0;
	[sflag:s22] =	ssyncset.done $0x0  }
0x43: {  	s0 =	sshrl.u32 s0, $0x3;
	[sflag:s22] =	ssyncadd.s32 $0xFFFFC000  }
0x44: {  	s2 =	sadd.s32 $0xFFFFFF80, s30;
	s0 =	sadd.s32 s1, s0  }
0x45: {  	[tilespmem:s16], [sflag:$0x1] =	stream.linear.gather [hbm4b:s0+s5], $0x80, $0x38;
	[tilespmem:$0x1E900] =	vst v63  }
0x46: {  	_ = 	snop  }
0x47: {  	[spmem:s3] =	stream.indirect.scatter.add.f32 [tilespmem:s17], [sflag:$0x5], $0x80, s2, s20, $0xb8;
	[tilespmem:$0x1E900] =	vst v63  }
0x48: {  	_ =	swait.ge [sflag:s15], $0x4000  }
0x49: {  	[sflag:s15] =	ssyncset.done $0x0  }
0x4a: {  	[sflag:s15] =	ssyncadd.s32 $0xFFFFC000  }
0x4b: {  	_ =	swait.ge [sflag:s23], $0x4000  }
0x4c: {  	[sflag:s23] =	ssyncset.done $0x0  }
0x4d: {  	s0 =	sand.u32 $0x7C00, s31;
	[sflag:s23] =	ssyncadd.s32 $0xFFFFC000  }
0x4e: {  	s0 =	sadd.s32 s4, s0;
	s2 =	sand.u32 $0x380, s31;
	_ =	swait.ge [sflag:s24], $0x80  }
0x4f: {  	s0 =	sor.u32 s2, s0;
	[sflag:s24] =	ssyncset.done $0x0  }
0x50: {  	s0 =	sshrl.u32 s0, $0x3;
	[sflag:s24] =	ssyncadd.s32 $0xFFFFFF80  }
0x51: {  	[tilespmem:s17], [sflag:$0x3] =	stream.indirect.gather [hbm4b:s6+s20], $0x80, s16, s20, $0xb8;
	[tilespmem:$0x1E900] =	vst v63  }
.Ltmp0:
0x52: {  	s0 =	sadd.s32 s1, s0;
	(pc) =	sbr.rel @p0 .LBB2_2-.Ltmp0, $4  }
0x53: {  	[tilespmem:s18], [sflag:$0x2] =	stream.linear.gather [hbm4b:s0+s5], $0x80, $0x38;
	[tilespmem:$0x1E900] =	vst v63  }
0x54: {  	_ = 	snop  }
0x55: {  	[spmem:s3] =	stream.indirect.scatter.add.f32 [tilespmem:s21], [sflag:$0x5], $0x80, s30, s20, $0xb8;
	[tilespmem:$0x1E900] =	vst v63  }
0x56: {  	_ =	swait.ge [sflag:s15], $0x4000  }
0x57: {  	[sflag:s15] =	ssyncset.done $0x0  }
0x58: {  	[sflag:s15] =	ssyncadd.s32 $0xFFFFC000  }
0x59: {  	_ =	swait.ge [sflag:s19], $0x80  }
0x5a: {  	[sflag:s19] =	ssyncset.done $0x0  }
0x5b: {  	[sflag:s19] =	ssyncadd.s32 $0xFFFFFF80  }
0x5c: {  	[tilespmem:s21], [sflag:$0x4] =	stream.indirect.gather [hbm4b:s6+s20], $0x80, s18, s20, $0xb8;
	[tilespmem:$0x1E900] =	vst v63  }
0x5d: {  	_ =	swait.ge [sflag:s22], $0x4000  }
0x5e: {  	[sflag:s22] =	ssyncset.done $0x0  }
0x5f: {  	[sflag:s22] =	ssyncadd.s32 $0xFFFFC000  }
0x60: {  	[spmem:s3] =	stream.indirect.scatter.add.f32 [tilespmem:s17], [sflag:$0x5], $0x80, s25, s20, $0xb8;
	[tilespmem:$0x1E900] =	vst v63  }
0x61: {  	_ =	swait.ge [sflag:s15], $0x4000  }
0x62: {  	[sflag:s15] =	ssyncset.done $0x0  }
0x63: {  	[sflag:s15] =	ssyncadd.s32 $0xFFFFC000  }
0x64: {  	_ =	swait.ge [sflag:s23], $0x4000  }
0x65: {  	[sflag:s23] =	ssyncset.done $0x0  }
0x66: {  	[sflag:s23] =	ssyncadd.s32 $0xFFFFC000  }
0x67: {  	[spmem:s3] =	stream.indirect.scatter.add.f32 [tilespmem:s21], [sflag:$0x5], $0x80, s26, s20, $0xb8;
	[tilespmem:$0x1E900] =	vst v63  }
0x68: {  	_ =	swait.ge [sflag:s15], $0x4000  }
0x69: {  	s28 =	sadd.s32 $0x1, s28;
	[sflag:s15] =	ssyncset.done $0x0  }
0x6a: {  	p0 =	sne.s32 s28, s13;
	[sflag:s15] =	ssyncadd.s32 $0xFFFFC000  }
.Ltmp1:
0x6b: {  	[bflag:$0x0] =	sbarrier.arrive $0xFFFF;
	(pc) =	sbr.rel @p0 .LBB2_1-.Ltmp1, $4  }
0x6c: {  	[hbm:s12], [sflag:s8] =	dma.local [spmem:s14], $0x2800  }
0x6d: {  	_ =	swait.ge [sflag:s15], $0x2800  }
0x6e: {  	[sflag:s15] =	ssyncset.done $0x0  }
0x6f: {  	[sflag:s15] =	ssyncadd.s32 $0xFFFFD800  }
0x70: {  	_ =	sfence.sel $0x180000  }
0x71: {  	[bflag:$0x0] =	sbarrier.arrive $0xFFFF  }
0x72: {  	_ =	strace $0x9000004D  }
0x73: {  	s0 =	stileid.u32;
	[bflag:$0x2] =	sbarrier.arrive $0xFFFF  }
0x74: {  	p0 =	sne.s32 s0, $0x0;
	s0 =	rddreg [dreg:$0x3]  }
0x75: {  	s0 =	sadd.s32 @!p0 $0x100000, s0  }
0x76: {  	[sflag:s0] =	ssyncadd.tile.s32 @!p0 $0x1;
	_ =	shalt  }
.Lfunc_end2:
_tile_overlayer_lowered:
.L_overlay_start_2:
0x77: {  	(tag) =	ssettag $0x2  }
0x78: {  	s0 =	rddreg [dreg:$0x0];
	s2 =	stileid.u32  }
0x79: {  	s1 =	rddreg [dreg:$0x1];
	p0 =	sne.s32 s2, $0x0  }
0x7a: {  	s3 =	rddreg [dreg:$0x2];
	[bflag:$0x3] =	sbarrier.arrive $0xFFFF;
	s2 =	simm.s32 @!p0 $0x1C05  }
0x7b: {  	[timem:s3], [sflag:s2] =	dma.local @!p0 [hbm:s0], s1  }
0x7c: {  	s0 =	simm.s32 @!p0 $0x5  }
0x7d: {  	_ =	swait.ge @!p0 [sflag:s0], s1  }
0x7e: {  	s1 =	ssub.s32 @!p0 $0x0, s1;
	[sflag:s0] =	ssyncset.done @!p0 $0x0  }
0x7f: {  	[sflag:s0] =	ssyncadd.s32 @!p0 s1  }
0x80: {  	[bflag:$0x3] =	sbarrier.arrive $0xFFFF  }
0x81: {  	_ =	shalt  }

// kernel: kernel.8.cloned.1.call-start
scs
__scs_entry_jumppad:
0x0: {  	(pc) =	sbr.rel $0x88, $3  }
0x1: {  	(tag) =	ssettag $0x0;
	lr =	simm.s32 $0x1  }
0x2: {  	[smem:$0x3F9B] =	sst lr;
	_ =	strace $0xD0000000  }
0x3: {  	_ = 	snop  }
0x4: {  	_ = 	snop  }
0x5: {  	_ = 	snop  }
0x6: {  	_ = 	snop  }
0x7: {  	_ = 	snop  }
__scs_overlays_trampoline_lowered:
0x8: {  	[smem:$0x3FAA] =	sst s0  }
0x9: {  	[smem:$0x3FAB] =	sst s1  }
0xa: {  	[smem:$0x3FAC] =	sst s2  }
0xb: {  	[smem:$0x3FAD] =	sst s3  }
0xc: {  	[smem:$0x3FAE] =	sst s4  }
0xd: {  	[smem:$0x3FAF] =	sst s5  }
0xe: {  	[smem:$0x3FB0] =	sst s6  }
0xf: {  	[smem:$0x3FB1] =	sst s7  }
0x10: {  	[smem:$0x3FB2] =	sst s8  }
0x11: {  	[smem:$0x3FB3] =	sst s9;
	s0 =	simm.s32 @!p0 $0x0  }
0x12: {  	s1 =	sld [smem:$0x3F99];
	s0 =	simm.s32 @p0 $0x1  }
0x13: {  	[smem:$0x3FB4] =	sst s0;
	s0 =	simm.s32 @!p1 $0x0  }
0x14: {  	s2 =	sld [smem:$0x3F98];
	s0 =	simm.s32 @p1 $0x1  }
0x15: {  	[smem:$0x3FB5] =	sst s0;
	s0 =	simm.s32 @!p2 $0x0  }
0x16: {  	s3 =	sld [smem:$0x3FDB];
	s0 =	simm.s32 @p2 $0x1  }
0x17: {  	s4 =	simm.s32 $0x1BF5;
	[smem:$0x3FB7] =	sst s0  }
0x18: {  	s0 =	sld [smem:$0x3F9A];
	_ =	swait.ge [sflag:s4], $0x0  }
0x19: {  	s7 =	sld [smem:$0x3F9B]  }
0x1a: {  	s8 =	sadd.s32 $0xFFFFE003, lr  }
0x1b: {  	s9 =	sadd.s32 $0xFFFFFEF7, lr;
	s5 =	simm.s32 $0xFFFFFFFF;
	p2 =	slt.u32 s8, $0xFFFFF086  }
0x1c: {  	p1 =	slt.u32 s9, $0xF7A;
	s5 =	simm.s32 @!p2 $0x0  }
0x1d: {  	s5 =	simm.s32 @p1 $0x1;
	p0 =	seq.s32 s7, s2  }
0x1e: {  	s7 =	smul.u32 @!p0 $0xF7A, s2;
	p2 =	seq.s32 @!p0 s5, $0x0  }
0x1f: {  	s9 =	smul.u32 $0xF7A, s1;
	s8 =	simm.s32 @!p0 $0x1BF5;
	p2 =	por !p2, p0  }
0x20: {  	[sflag:s8] =	ssyncset.s32 @!p0 $0xFFFFF086;
	s6 =	sadd.s32 @!p0 s3, s7;
	s7 =	simm.s32 @!p0 $0x108  }
0x21: {  	s3 =	sadd.s32 s3, s9;
	s6 =	sadd.s32 @!p0 $0x88, s6;
	s7 =	simm.s32 @p2 $0x1082  }
0x22: {  	[simem:s7], [sflag:s8] =	dma.local @!p0 [hbm:s6], $0xF7A  }
0x23: {  	s9 =	sor.u32 $0xD0000000, s2;
	s6 =	simm.s32 $0x108;
	_ =	swait.ge @!p0 [sflag:s8], $0x0  }
0x24: {  	s3 =	sadd.s32 $0x88, s3;
	s6 =	simm.s32 @!p1 $0x1082;
	[sflag:s4] =	ssyncset.s32 $0xFFFFF086  }
0x25: {  	[simem:s6], [sflag:s4] =	dma.local [hbm:s3], $0xF7A  }
0x26: {  	[smem:$0x3F9B] =	sst s1;
	(tag) =	ssettag s2;
	_ =	strace s9  }
0x27: {  	s1 =	sld [smem:$0x3FAB]  }
0x28: {  	s2 =	sld [smem:$0x3FAC]  }
0x29: {  	s4 =	sld [smem:$0x3FAE]  }
0x2a: {  	p0 =	seq.s32 s5, $0x0;
	s5 =	sld [smem:$0x3FAF]  }
0x2b: {  	s6 =	sld [smem:$0x3FB0]  }
0x2c: {  	s7 =	sld [smem:$0x3FB1]  }
0x2d: {  	s3 =	simm.s32 $0x108;
	s8 =	sld [smem:$0x3FB2]  }
0x2e: {  	s3 =	simm.s32 @!p0 $0x1082;
	s9 =	sld [smem:$0x3FB3]  }
0x2f: {  	lr =	sadd.s32 s0, s3;
	s0 =	sld [smem:$0x3FAA]  }
0x30: {  	s3 =	sld [smem:$0x3FAD]  }
0x31: {  	[smem:$0x3FB6] =	sst s10  }
0x32: {  	s10 =	sld [smem:$0x3FB4];
	_ =	sdelay $0x3  }
0x33: {  	p0 =	seq.s32 s10, $0x1;
	s10 =	sld [smem:$0x3FB6];
	_ =	sdelay $0x3  }
0x34: {  	[smem:$0x3FB6] =	sst s10  }
0x35: {  	s10 =	sld [smem:$0x3FB5];
	_ =	sdelay $0x3  }
0x36: {  	p1 =	seq.s32 s10, $0x1;
	s10 =	sld [smem:$0x3FB6];
	_ =	sdelay $0x3  }
0x37: {  	[smem:$0x3FB6] =	sst s10  }
0x38: {  	s10 =	sld [smem:$0x3FB7]  }
0x39: {  	_ = 	snop;
	(pc) =	sbr.ind lr, $3  }
0x3a: {  	_ = 	snop  }
0x3b: {  	_ = 	snop  }
0x3c: {  	p2 =	seq.s32 s10, $0x1;
	s10 =	sld [smem:$0x3FB6]  }
0x3d: {  	_ =	shalt  }
0x3e: {  	_ =	shalt  }
0x3f: {  	_ =	shalt  }
0x40: {  	_ =	shalt  }
0x41: {  	_ =	shalt  }
0x42: {  	_ =	shalt  }
0x43: {  	_ =	shalt  }
0x44: {  	_ =	shalt  }
0x45: {  	_ =	shalt  }
0x46: {  	_ =	shalt  }
0x47: {  	_ =	shalt  }
0x48: {  	_ =	shalt  }
0x49: {  	_ =	shalt  }
0x4a: {  	_ =	shalt  }
0x4b: {  	_ =	shalt  }
0x4c: {  	_ =	shalt  }
0x4d: {  	_ =	shalt  }
0x4e: {  	_ =	shalt  }
0x4f: {  	_ =	shalt  }
0x50: {  	_ =	shalt  }
0x51: {  	_ =	shalt  }
0x52: {  	_ =	shalt  }
0x53: {  	_ =	shalt  }
0x54: {  	_ =	shalt  }
0x55: {  	_ =	shalt  }
0x56: {  	_ =	shalt  }
0x57: {  	_ =	shalt  }
0x58: {  	_ =	shalt  }
0x59: {  	_ =	shalt  }
0x5a: {  	_ =	shalt  }
0x5b: {  	_ =	shalt  }
0x5c: {  	_ =	shalt  }
0x5d: {  	_ =	shalt  }
0x5e: {  	_ =	shalt  }
0x5f: {  	_ =	shalt  }
0x60: {  	_ =	shalt  }
0x61: {  	_ =	shalt  }
0x62: {  	_ =	shalt  }
0x63: {  	_ =	shalt  }
0x64: {  	_ =	shalt  }
0x65: {  	_ =	shalt  }
0x66: {  	_ =	shalt  }
0x67: {  	_ =	shalt  }
0x68: {  	_ =	shalt  }
0x69: {  	_ =	shalt  }
0x6a: {  	_ =	shalt  }
0x6b: {  	_ =	shalt  }
0x6c: {  	_ =	shalt  }
0x6d: {  	_ =	shalt  }
0x6e: {  	_ =	shalt  }
0x6f: {  	_ =	shalt  }
0x70: {  	_ =	shalt  }
0x71: {  	_ =	shalt  }
0x72: {  	_ =	shalt  }
0x73: {  	_ =	shalt  }
0x74: {  	_ =	shalt  }
0x75: {  	_ =	shalt  }
0x76: {  	_ =	shalt  }
0x77: {  	_ =	shalt  }
0x78: {  	_ =	shalt  }
0x79: {  	_ =	shalt  }
0x7a: {  	_ =	shalt  }
0x7b: {  	_ =	shalt  }
0x7c: {  	_ =	shalt  }
0x7d: {  	_ =	shalt  }
0x7e: {  	_ =	shalt  }
0x7f: {  	_ =	shalt  }
0x80: {  	_ =	shalt  }
0x81: {  	_ =	shalt  }
0x82: {  	_ =	shalt  }
0x83: {  	_ =	shalt  }
0x84: {  	_ =	shalt  }
0x85: {  	_ =	shalt  }
0x86: {  	_ =	shalt  }
0x87: {  	_ =	shalt  }
.Lfunc_end0:
.L_simem_size_0:
called_computation_lowered:
.L_overlay_start_0:
0x88: {  	s2 =	sld [smem:$0x3FD9]  }
0x89: {  	s3 =	sld [smem:$0x3FFE];
	_ =	sdelay $0x1  }
0x8a: {  	s1 =	srdreg.scid  }
0x8b: {  	s0 =	sand.u32 $0x1, s1  }
0x8c: {  	s16 =	sshll.u32 s0, $0xA;
	s2 =	sadd.s32 s3, s2  }
0x8d: {  	s2 =	sadd.s32 s2, s16  }
0x8e: {  	[smem:$0x3FC2] =	sst s2  }
0x8f: {  	_ = 	snop  }
0x90: {  	(tm) =	ssettm $0x1  }
0x91: {  	s17 =	sld [smem:$0x3FFB];
	_ =	sdelay $0x3  }
0x92: {  	_ =	strace s17  }
0x93: {  	s2 =	sld [smem:$0x3FFC];
	_ =	sdelay $0x3  }
0x94: {  	_ =	strace s2  }
0x95: {  	s2 =	sld [smem:$0x3FFD];
	_ =	sdelay $0x3  }
0x96: {  	_ =	strace s2  }
0x97: {  	_ =	strace $0x8FFFFFFF  }
0x98: {  	s18 =	sld [smem:$0x3FDB];
	_ =	sdelay $0x1  }
0x99: {  	s19 =	simm.s32 $_scs_section_size  }
0x9a: {  	s4 =	simm.s32 $_size__tile_overlayer_lowered;
	s5 =	simm.s32 $_tile_overlayer_lowered  }
0x9b: {  	s22 =	simm.s32 $0x1BFF;
	s21 =	sshll.u32 s5, $0x1;
	s2 =	sadd.s32 s19, s18  }
0x9c: {  	s6 =	simm.s32 $0x0;
	s20 =	sshll.u32 s4, $0x1;
	s4 =	sadd.s32 s21, s2  }
0x9d: {  	[timem:s6], [sflag:s22] =	dma.local [hbm:s4], s20  }
0x9e: {  	_ =	swait.ge [sflag:s22], s20  }
0x9f: {  	s3 =	ssub.s32 $0x0, s20;
	[sflag:s22] =	ssyncset.done $0x0  }
0xa0: {  	[sflag:s22] =	ssyncadd.s32 s3;
	_ =	sdelay $0x1  }
0xa1: {  	s23 =	simm.s32 $0x1B8B  }
0xa2: {  	_ =	swait.ge [sflag:s23], $0x1  }
0xa3: {  	[sflag:s23] =	ssyncset.done $0x0  }
0xa4: {  	s25 =	simm.s32 $0x1B8E;
	s24 =	sld [smem:$0x3FFE];
	[sflag:s23] =	ssyncadd.s32 $0xFFFFFFFF  }
0xa5: {  	s26 =	simm.s32 $execute0_lowered;
	[smem:$0x3FD2] =	sst s25  }
0xa6: {  	s4 =	sshll.u32 s26, $0x1;
	_ =	strace $0x80000046;
	[dreg:$0x1] =	wrdreg $0xFFFFFFFF  }
0xa7: {  	s28 =	simm.s32 $_size_execute0_lowered;
	s2 =	sadd.s32 s2, s4;
	[dreg:$0x0] =	wrdreg $0x0  }
0xa8: {  	s4 =	sshll.u32 s28, $0x1;
	[dreg:$0x2] =	wrdreg s2  }
0xa9: {  	[dreg:$0x3] =	wrdreg s4  }
0xaa: {  	[dreg:$0x4] =	wrdreg $0xC0  }
0xab: {  	_ =	task [dreg:s6], $0x5FFFF  }
0xac: {  	[dreg:$0x1] =	wrdreg $0xFFFFFFFF  }
0xad: {  	[dreg:$0x0] =	wrdreg $0x60  }
0xae: {  	[dreg:$0x2] =	wrdreg s24  }
0xaf: {  	[dreg:$0x3] =	wrdreg $0x68000  }
0xb0: {  	[dreg:$0x4] =	wrdreg $0x9  }
0xb1: {  	_ =	task.clear_ibuf [dreg:s6], $0x5FFFF;
	_ =	strace $0x90000046  }
0xb2: {  	s29 =	simm.s32 $0x9;
	_ =	strace $0x80000048  }
0xb3: {  	_ =	swait.ge [sflag:s29], $0x1  }
0xb4: {  	[sflag:s29] =	ssyncadd.s32 $0xFFFFFFFF  }
0xb5: {  	_ =	strace $0x90000048  }
0xb6: {  	_ =	sfence  }
0xb7: {  	s30 =	sld [smem:$0x0];
	_ =	sdelay $0x2  }
0xb8: {  	s31 =	sshll.u32 s1, $0xD;
	s1 =	sshrl.u32 s1, $0x2  }
0xb9: {  	s3 =	sand.u32 $0x4000, s31;
	s1 =	sadd.s32 s1, s30  }
0xba: {  	s0 =	sor.u32 s3, s0;
	s1 =	sshll.u32 s1, $0x11  }
0xbb: {  	s0 =	sor.u32 s1, s0  }
0xbc: {  	s0 =	sadd.s32 $0x8F2B, s0  }
0xbd: {  	[sflag:s0] =	ssyncadd.remote.s32 $0x1  }
0xbe: {  	_ =	sfence.sel $0xFFFF  }
0xbf: {  	[dreg:$0x0] =	wrdreg $0xFFFFFFFF;
	(pc) =	sbr.abs _section_cstart, $3  }
0xc0: {  	[dreg:$0x1] =	wrdreg $0xFFFFFFFF  }
0xc1: {  	_ =	task.clear_ibuf [dreg:s6], $0x2FFFF;
	_ =	strace $0x9FFFFFFF  }
0xc2: {  	(tm) =	ssettm $0x7FFFFFFF  }
0xc3: {  	_ =	shalt  }
tec
execute0_lowered:
.L_overlay_start_1:
0x0: {  	(tag) =	ssettag $0x1  }
0x1: {  	s7 =	rddreg [dreg:$0x0]  }
0x2: {  	s0 =	srdreg.scid;
	s2 =	rddreg [dreg:$0x1]  }
0x3: {  	s3 =	simm.s32 $0x0;
	s12 =	simm.s32 $0x2800;
	s6 =	sand.u32 $0x1, s0  }
0x4: {  	s13 =	simm.s32 $0x80;
	s0 =	stileid.u32;
	s5 =	smul.u32 $0x140000, s6  }
0x5: {  	s14 =	simm.s32 $0x0;
	[smem:$0x7FF] =	sst s3;
	s8 =	smul.u32 $0x14000, s0  }
0x6: {  	s1 =	sshll.u32 s6, $0x4;
	s10 =	smul.u32 $0x50000, s0;
	s6 =	ssub.s32 $0x2, s6  }
0x7: {  	s31 =	sshll.u32 s0, $0x6;
	s1 =	sor.u32 s0, s1;
	s30 =	sshrl.u32 s6, $0x1  }
0x8: {  	s4 =	smul.u32 $0x500, s1;
	s1 =	rddreg [dreg:$0x2];
	_ =	strace $0x80000047  }
0x9: {  	s8 =	sadd.s32 s8, s5;
	s5 =	sadd.s32 $0xD400, s7;
	s10 =	sshrl.u32 s10, $0x2  }
0xa: {  	s11 =	ssub.s32 s6, s30;
	s6 =	sor.u32 $0x1C01, s31;
	s8 =	sshrl.u32 s8, $0x3  }
0xb: {  	s10 =	sadd.s32 s10, s2;
	s9 =	sadd.s32 s4, s7;
	s4 =	sadd.s32 $0xCC00, s7  }
0xc: {  	s8 =	sadd.s32 s8, s7;
	s10 =	sshrl.u32 s10, $0x3;
	s7 =	sadd.s32 $0x2C00, s9  }
0xd: {  	s8 =	sadd.s32 $0xFC00, s8;
	s9 =	smax.u32 s11, $0x1;
	s11 =	simm.s32 $0x1  }
.LBB2_1:
0xe: {  	[spmem:s10], [sflag:s6] =	dma.local [hbm:s5], $0x2800  }
0xf: {  	_ =	swait.ge [sflag:s11], $0x2800  }
0x10: {  	[sflag:s11] =	ssyncset.done $0x0  }
0x11: {  	[sflag:s11] =	ssyncadd.s32 $0xFFFFD800  }
0x12: {  	[tilespmem:s12], [sflag:$0x1] =	stream.linear.gather [hbm4b:s4+s3], $0x4000, $0x38;
	[tilespmem:$0x9000] =	vst v63  }
0x13: {  	_ =	swait.ge [sflag:s11], $0x4000  }
0x14: {  	[sflag:s11] =	ssyncset.done $0x0  }
0x15: {  	[sflag:s11] =	ssyncadd.s32 $0xFFFFC000  }
0x16: {  	[tilespmem:s3], [sflag:$0x1] =	stream.linear.gather [hbm4b:s7+s3], $0x2800, $0x38;
	[tilespmem:$0x9000] =	vst v63  }
0x17: {  	_ =	swait.ge [sflag:s11], $0x2800  }
0x18: {  	[sflag:s11] =	ssyncset.done $0x0  }
0x19: {  	[sflag:s11] =	ssyncadd.s32 $0xFFFFD800  }
0x1a: {  	s15 =	simm.s32 $0x0;
	[bflag:$0x0] =	sbarrier.arrive $0xFFFF  }
0x1b: {  	[spmem:s2] =	stream.indirect.scatter.add.f32 [tilespmem:s12], [sflag:$0x1], $0x10, s15, s13, $0xb8;
	[tilespmem:$0x9000] =	vst v63  }
0x1c: {  	_ =	swait.ge [sflag:s11], $0x800  }
0x1d: {  	s15 =	simm.s32 $0x200;
	[sflag:s11] =	ssyncset.done $0x0  }
.LBB2_2:
0x1e: {  	s16 =	sshra.s32 s15, $0x2;
	[sflag:s11] =	ssyncadd.s32 $0xFFFFF800;
	p0 =	sne.s32 s15, $0x9E00  }
0x1f: {  	[spmem:s2] =	stream.indirect.scatter.add.f32 [tilespmem:s12], [sflag:$0x1], $0x10, s16, s13, $0xb8;
	[tilespmem:$0x9000] =	vst v63  }
.Ltmp0:
0x20: {  	_ = 	snop;
	(pc) =	sbr.rel @p0 .LBB2_2-.Ltmp0, $4  }
0x21: {  	_ = 	snop  }
0x22: {  	s15 =	sadd.s32 $0x200, s15  }
0x23: {  	_ =	swait.ge [sflag:s11], $0x800  }
0x24: {  	[sflag:s11] =	ssyncset.done $0x0  }
0x25: {  	s14 =	sadd.s32 $0x1, s14  }
0x26: {  	[sflag:s11] =	ssyncadd.s32 $0xFFFFF800;
	p0 =	sne.s32 s14, s9  }
.Ltmp1:
0x27: {  	[bflag:$0x0] =	sbarrier.arrive $0xFFFF;
	(pc) =	sbr.rel @p0 .LBB2_1-.Ltmp1, $4  }
0x28: {  	[hbm:s8], [sflag:s6] =	dma.local [spmem:s10], $0x2800  }
0x29: {  	_ =	swait.ge [sflag:s11], $0x2800  }
0x2a: {  	[sflag:s11] =	ssyncset.done $0x0  }
0x2b: {  	[sflag:s11] =	ssyncadd.s32 $0xFFFFD800  }
0x2c: {  	_ =	sfence.sel $0x180000  }
0x2d: {  	[bflag:$0x0] =	sbarrier.arrive $0xFFFF  }
0x2e: {  	p0 =	sne.s32 s0, $0x0;
	_ =	strace $0x90000047  }
0x2f: {  	s0 =	sadd.s32 @!p0 $0x100000, s1;
	[bflag:$0x2] =	sbarrier.arrive $0xFFFF  }
0x30: {  	[sflag:s0] =	ssyncadd.tile.s32 @!p0 $0x1;
	_ =	shalt  }
.Lfunc_end2:
_tile_overlayer_lowered:
.L_overlay_start_2:
0x31: {  	(tag) =	ssettag $0x2  }
0x32: {  	s0 =	rddreg [dreg:$0x0];
	s2 =	stileid.u32  }
0x33: {  	s1 =	rddreg [dreg:$0x1];
	p0 =	sne.s32 s2, $0x0  }
0x34: {  	s3 =	rddreg [dreg:$0x2];
	[bflag:$0x3] =	sbarrier.arrive $0xFFFF;
	s2 =	simm.s32 @!p0 $0x1C01  }
0x35: {  	[timem:s3], [sflag:s2] =	dma.local @!p0 [hbm:s0], s1  }
0x36: {  	s0 =	simm.s32 @!p0 $0x1  }
0x37: {  	_ =	swait.ge @!p0 [sflag:s0], s1  }
0x38: {  	s1 =	ssub.s32 @!p0 $0x0, s1;
	[sflag:s0] =	ssyncset.done @!p0 $0x0  }
0x39: {  	[sflag:s0] =	ssyncadd.s32 @!p0 s1  }
0x3a: {  	[bflag:$0x3] =	sbarrier.arrive $0xFFFF  }
0x3b: {  	_ =	shalt  }

</sc_bundles>
